<compile_context>
chip_gen: v7x
topology: tpu7x:2x2x1
jax: 0.10.2.dev20260603
libtpu: 0.0.44.dev20260713+nightly
codegen_flags: <defaults>
</compile_context>

<pallas_src>
import functools

import jax
import jax.numpy as jnp
from jax import lax
from jax.experimental import pallas as pl
from jax.experimental.pallas import tpu as pltpu
from jax.experimental.pallas import tpu_sc as plsc

_BATCH = 16384
_COLS = 512
_PATHWAYS = 64
_GENES = 8

_TC_ROWS = 12288
_SC_ROWS = _BATCH - _TC_ROWS
_TC_BLK = 4096

_NC = 2
_NS = 16
_NW = _NC * _NS
_ROWS_PER_W = _SC_ROWS // _NW
_CHUNK = 128
_NCHUNK = _ROWS_PER_W // _CHUNK


def _sc_body(x_hbm, out_hbm, in0, in1, ou0, ou1, si0, si1, so0, so1):
    wid = lax.axis_index("s") * _NC + lax.axis_index("c")
    rbase = _TC_ROWS + wid * _ROWS_PER_W
    cbase = wid * _ROWS_PER_W
    lane = lax.iota(jnp.int32, 16)

    in_bufs = (in0, in1)
    out_bufs = (ou0, ou1)
    in_sems = (si0, si1)
    out_sems = (so0, so1)

    def start_in(ci, b):
        return pltpu.async_copy(
            x_hbm.at[pl.ds(rbase + ci * _CHUNK, _CHUNK)], in_bufs[b], in_sems[b]
        )

    col_idx = [lane * 8 + (128 * j + g) for j in range(4) for g in range(_GENES)]

    def one_row(in_v, out_v, r):
        row_idx = jnp.full((16,), r, jnp.int32)
        for j in range(4):
            g = [plsc.load_gather(in_v, [row_idx, col_idx[8 * j + k]])
                 for k in range(_GENES)]
            s = ((g[0] + g[1]) + (g[2] + g[3])) + ((g[4] + g[5]) + (g[6] + g[7]))
            plsc.store_scatter(out_v, [lane + 16 * j, row_idx], s * 0.125)

    out_copies = {}
    start_in(0, 0)
    for ci in range(_NCHUNK):
        b = ci % 2
        pltpu.make_async_copy(
            x_hbm.at[pl.ds(rbase + ci * _CHUNK, _CHUNK)], in_bufs[b], in_sems[b]
        ).wait()
        if ci + 1 < _NCHUNK:
            start_in(ci + 1, 1 - b)
        if ci >= 2:
            out_copies[ci - 2].wait()

        @plsc.parallel_loop(0, _CHUNK, step=1, unroll=4)
        def _rows(r):
            one_row(in_bufs[b], out_bufs[b], r)

        out_copies[ci] = pltpu.async_copy(
            out_bufs[b],
            out_hbm.at[:, pl.ds(cbase + ci * _CHUNK, _CHUNK)],
            out_sems[b],
        )
    for ci in range(max(0, _NCHUNK - 2), _NCHUNK):
        out_copies[ci].wait()


def _sc_call(x):
    mesh = plsc.VectorSubcoreMesh(core_axis_name="c", subcore_axis_name="s")
    run = pl.kernel(
        _sc_body,
        out_type=jax.ShapeDtypeStruct((_PATHWAYS, _SC_ROWS), jnp.float32),
        mesh=mesh,
        scratch_types=[
            pltpu.VMEM((_CHUNK, _COLS), jnp.float32),
            pltpu.VMEM((_CHUNK, _COLS), jnp.float32),
            pltpu.VMEM((_PATHWAYS, _CHUNK), jnp.float32),
            pltpu.VMEM((_PATHWAYS, _CHUNK), jnp.float32),
            pltpu.SemaphoreType.DMA,
            pltpu.SemaphoreType.DMA,
            pltpu.SemaphoreType.DMA,
            pltpu.SemaphoreType.DMA,
        ],
        compiler_params=pltpu.CompilerParams(
            use_tc_tiling_on_sc=True, needs_layout_passes=False
        ),
    )
    return run(x)


def _tc_body(x_ref, w_ref, o_ref):
    o_ref[...] = jax.lax.dot_general(
        w_ref[...], x_ref[...], (((0,), (1,)), ((), ())),
        preferred_element_type=jnp.float32,
    )


def _tc_call(x, w):
    return pl.pallas_call(
        _tc_body,
        grid=(_TC_ROWS // _TC_BLK,),
        in_specs=[
            pl.BlockSpec((_TC_BLK, _COLS), lambda i: (i, 0)),
            pl.BlockSpec((_COLS, _PATHWAYS), lambda i: (0, 0)),
        ],
        out_specs=pl.BlockSpec((_PATHWAYS, _TC_BLK), lambda i: (0, i)),
        out_shape=jax.ShapeDtypeStruct((_PATHWAYS, _TC_ROWS), jnp.float32),
    )(x, w)


@jax.jit
def kernel(geneset_features):
    w = jnp.repeat(jnp.eye(_PATHWAYS, dtype=jnp.float32), _GENES, axis=0) * (
        1.0 / _GENES
    )
    sc_t = _sc_call(geneset_features)
    tc_t = _tc_call(geneset_features, w)
    out_t = jnp.concatenate([tc_t, sc_t], axis=1)
    return out_t.T

# --- scband reference (transcript-rebuilt; emitter-appended) ---
"""Pipeline reference for scband-cell-pathway-aggregator-72782515798455 (READ-ONLY COPY).

The authoritative reference and input builder live on the scoring server;
editing this copy changes nothing except your own understanding.
"""

import jax, jax.numpy as jnp
import numpy as np

NUM_PATHWAYS = 64
GENES_PER_PATHWAY = 8
NUM_GENE_SETS = NUM_PATHWAYS * GENES_PER_PATHWAY
BATCH = 16384
_IDX = np.arange(NUM_GENE_SETS, dtype=np.int64).reshape(NUM_PATHWAYS, GENES_PER_PATHWAY)


def setup_inputs(seed: int = 0) -> dict:
    key = jax.random.key(seed)
    geneset_features = jax.random.normal(key, (BATCH, NUM_GENE_SETS), dtype=jnp.float32)
    return {"geneset_features": geneset_features}


def reference(geneset_features):
    # CellPathwayAggregator(mode='pooling', pooling_type='mean'):
    # for each pathway i: aggregated[:, i] = mean(geneset_features[:, indices_i], dim=1)
    idx = jnp.asarray(_IDX)  # [P, G] int64 gather indices
    gathered = jnp.take(geneset_features, idx.reshape(-1), axis=1)  # [B, P*G]
    gathered = gathered.reshape(geneset_features.shape[0], NUM_PATHWAYS, GENES_PER_PATHWAY)
    aggregated = jnp.mean(gathered, axis=2)  # [B, P]
    return aggregated

if __name__ == "__main__":
    import jax
    _d = setup_inputs()
    print(jax.jit(kernel)(*tuple(_d.values())))

</pallas_src>

<mosaic_0001>
#map = affine_map<(d0, d1) -> (0, 0)>
module attributes {stable_mosaic.version = 14 : i64} {
  func.func @_sc_body(%arg0: i32, %arg1: i32, %arg2: memref<16384x512xf32, #tpu.memory_space<hbm>>, %arg3: memref<64x4096xf32, #tpu.memory_space<hbm>>, %arg4: memref<128x512xf32, #tpu.memory_space<vmem>>, %arg5: memref<128x512xf32, #tpu.memory_space<vmem>>, %arg6: memref<64x128xf32, #tpu.memory_space<vmem>>, %arg7: memref<64x128xf32, #tpu.memory_space<vmem>>, %arg8: memref<!tpu.dma_semaphore, #tpu.memory_space<semaphore_mem>>, %arg9: memref<!tpu.dma_semaphore, #tpu.memory_space<semaphore_mem>>, %arg10: memref<!tpu.dma_semaphore, #tpu.memory_space<semaphore_mem>>, %arg11: memref<!tpu.dma_semaphore, #tpu.memory_space<semaphore_mem>>) attributes {dimension_semantics = [#tpu.dimension_semantics<core_parallel>, #tpu.dimension_semantics<subcore_parallel>], iteration_bounds = array<i64: 2, 16>, scalar_prefetch = 0 : i64, scratch_operands = 8 : i64, tpu.core_type = #tpu.core_type<sc_vector_subcore>, window_params = [{transform_indices = #map}, {transform_indices = #map}]} {
    %mul3A = arith.constant 2 : i32
    %mul3A_0 = arith.muli %arg1, %mul3A : i32
    %add3A = arith.addi %mul3A_0, %arg0 : i32
    %mul3A_1 = arith.constant 128 : i32
    %mul3A_2 = arith.muli %add3A, %mul3A_1 : i32
    %add3A_3 = arith.constant 12288 : i32
    %add3A_4 = arith.addi %add3A_3, %mul3A_2 : i32
    %mul3A_5 = arith.constant 128 : i32
    %mul3A_6 = arith.muli %add3A, %mul3A_5 : i32
    %iota3A = tpu.iota {dimensions = array<i32: 0>} : vector<16xi32>
    %mul3A_7 = arith.constant 8 : i32
    %mul3A_8 = vector.broadcast %mul3A_7 : i32 to vector<16xi32>
    %mul3A_9 = arith.muli %iota3A, %mul3A_8 : vector<16xi32>
    %add3A_10 = arith.constant 0 : i32
    %add3A_11 = vector.broadcast %add3A_10 : i32 to vector<16xi32>
    %add3A_12 = arith.addi %mul3A_9, %add3A_11 : vector<16xi32>
    %mul3A_13 = arith.constant 8 : i32
    %mul3A_14 = vector.broadcast %mul3A_13 : i32 to vector<16xi32>
    %mul3A_15 = arith.muli %iota3A, %mul3A_14 : vector<16xi32>
    %add3A_16 = arith.constant 1 : i32
    %add3A_17 = vector.broadcast %add3A_16 : i32 to vector<16xi32>
    %add3A_18 = arith.addi %mul3A_15, %add3A_17 : vector<16xi32>
    %mul3A_19 = arith.constant 8 : i32
    %mul3A_20 = vector.broadcast %mul3A_19 : i32 to vector<16xi32>
    %mul3A_21 = arith.muli %iota3A, %mul3A_20 : vector<16xi32>
    %add3A_22 = arith.constant 2 : i32
    %add3A_23 = vector.broadcast %add3A_22 : i32 to vector<16xi32>
    %add3A_24 = arith.addi %mul3A_21, %add3A_23 : vector<16xi32>
    %mul3A_25 = arith.constant 8 : i32
    %mul3A_26 = vector.broadcast %mul3A_25 : i32 to vector<16xi32>
    %mul3A_27 = arith.muli %iota3A, %mul3A_26 : vector<16xi32>
    %add3A_28 = arith.constant 3 : i32
    %add3A_29 = vector.broadcast %add3A_28 : i32 to vector<16xi32>
    %add3A_30 = arith.addi %mul3A_27, %add3A_29 : vector<16xi32>
    %mul3A_31 = arith.constant 8 : i32
    %mul3A_32 = vector.broadcast %mul3A_31 : i32 to vector<16xi32>
    %mul3A_33 = arith.muli %iota3A, %mul3A_32 : vector<16xi32>
    %add3A_34 = arith.constant 4 : i32
    %add3A_35 = vector.broadcast %add3A_34 : i32 to vector<16xi32>
    %add3A_36 = arith.addi %mul3A_33, %add3A_35 : vector<16xi32>
    %mul3A_37 = arith.constant 8 : i32
    %mul3A_38 = vector.broadcast %mul3A_37 : i32 to vector<16xi32>
    %mul3A_39 = arith.muli %iota3A, %mul3A_38 : vector<16xi32>
    %add3A_40 = arith.constant 5 : i32
    %add3A_41 = vector.broadcast %add3A_40 : i32 to vector<16xi32>
    %add3A_42 = arith.addi %mul3A_39, %add3A_41 : vector<16xi32>
    %mul3A_43 = arith.constant 8 : i32
    %mul3A_44 = vector.broadcast %mul3A_43 : i32 to vector<16xi32>
    %mul3A_45 = arith.muli %iota3A, %mul3A_44 : vector<16xi32>
    %add3A_46 = arith.constant 6 : i32
    %add3A_47 = vector.broadcast %add3A_46 : i32 to vector<16xi32>
    %add3A_48 = arith.addi %mul3A_45, %add3A_47 : vector<16xi32>
    %mul3A_49 = arith.constant 8 : i32
    %mul3A_50 = vector.broadcast %mul3A_49 : i32 to vector<16xi32>
    %mul3A_51 = arith.muli %iota3A, %mul3A_50 : vector<16xi32>
    %add3A_52 = arith.constant 7 : i32
    %add3A_53 = vector.broadcast %add3A_52 : i32 to vector<16xi32>
    %add3A_54 = arith.addi %mul3A_51, %add3A_53 : vector<16xi32>
    %mul3A_55 = arith.constant 8 : i32
    %mul3A_56 = vector.broadcast %mul3A_55 : i32 to vector<16xi32>
    %mul3A_57 = arith.muli %iota3A, %mul3A_56 : vector<16xi32>
    %add3A_58 = arith.constant 128 : i32
    %add3A_59 = vector.broadcast %add3A_58 : i32 to vector<16xi32>
    %add3A_60 = arith.addi %mul3A_57, %add3A_59 : vector<16xi32>
    %mul3A_61 = arith.constant 8 : i32
    %mul3A_62 = vector.broadcast %mul3A_61 : i32 to vector<16xi32>
    %mul3A_63 = arith.muli %iota3A, %mul3A_62 : vector<16xi32>
    %add3A_64 = arith.constant 129 : i32
    %add3A_65 = vector.broadcast %add3A_64 : i32 to vector<16xi32>
    %add3A_66 = arith.addi %mul3A_63, %add3A_65 : vector<16xi32>
    %mul3A_67 = arith.constant 8 : i32
    %mul3A_68 = vector.broadcast %mul3A_67 : i32 to vector<16xi32>
    %mul3A_69 = arith.muli %iota3A, %mul3A_68 : vector<16xi32>
    %add3A_70 = arith.constant 130 : i32
    %add3A_71 = vector.broadcast %add3A_70 : i32 to vector<16xi32>
    %add3A_72 = arith.addi %mul3A_69, %add3A_71 : vector<16xi32>
    %mul3A_73 = arith.constant 8 : i32
    %mul3A_74 = vector.broadcast %mul3A_73 : i32 to vector<16xi32>
    %mul3A_75 = arith.muli %iota3A, %mul3A_74 : vector<16xi32>
    %add3A_76 = arith.constant 131 : i32
    %add3A_77 = vector.broadcast %add3A_76 : i32 to vector<16xi32>
    %add3A_78 = arith.addi %mul3A_75, %add3A_77 : vector<16xi32>
    %mul3A_79 = arith.constant 8 : i32
    %mul3A_80 = vector.broadcast %mul3A_79 : i32 to vector<16xi32>
    %mul3A_81 = arith.muli %iota3A, %mul3A_80 : vector<16xi32>
    %add3A_82 = arith.constant 132 : i32
    %add3A_83 = vector.broadcast %add3A_82 : i32 to vector<16xi32>
    %add3A_84 = arith.addi %mul3A_81, %add3A_83 : vector<16xi32>
    %mul3A_85 = arith.constant 8 : i32
    %mul3A_86 = vector.broadcast %mul3A_85 : i32 to vector<16xi32>
    %mul3A_87 = arith.muli %iota3A, %mul3A_86 : vector<16xi32>
    %add3A_88 = arith.constant 133 : i32
    %add3A_89 = vector.broadcast %add3A_88 : i32 to vector<16xi32>
    %add3A_90 = arith.addi %mul3A_87, %add3A_89 : vector<16xi32>
    %mul3A_91 = arith.constant 8 : i32
    %mul3A_92 = vector.broadcast %mul3A_91 : i32 to vector<16xi32>
    %mul3A_93 = arith.muli %iota3A, %mul3A_92 : vector<16xi32>
    %add3A_94 = arith.constant 134 : i32
    %add3A_95 = vector.broadcast %add3A_94 : i32 to vector<16xi32>
    %add3A_96 = arith.addi %mul3A_93, %add3A_95 : vector<16xi32>
    %mul3A_97 = arith.constant 8 : i32
    %mul3A_98 = vector.broadcast %mul3A_97 : i32 to vector<16xi32>
    %mul3A_99 = arith.muli %iota3A, %mul3A_98 : vector<16xi32>
    %add3A_100 = arith.constant 135 : i32
    %add3A_101 = vector.broadcast %add3A_100 : i32 to vector<16xi32>
    %add3A_102 = arith.addi %mul3A_99, %add3A_101 : vector<16xi32>
    %mul3A_103 = arith.constant 8 : i32
    %mul3A_104 = vector.broadcast %mul3A_103 : i32 to vector<16xi32>
    %mul3A_105 = arith.muli %iota3A, %mul3A_104 : vector<16xi32>
    %add3A_106 = arith.constant 256 : i32
    %add3A_107 = vector.broadcast %add3A_106 : i32 to vector<16xi32>
    %add3A_108 = arith.addi %mul3A_105, %add3A_107 : vector<16xi32>
    %mul3A_109 = arith.constant 8 : i32
    %mul3A_110 = vector.broadcast %mul3A_109 : i32 to vector<16xi32>
    %mul3A_111 = arith.muli %iota3A, %mul3A_110 : vector<16xi32>
    %add3A_112 = arith.constant 257 : i32
    %add3A_113 = vector.broadcast %add3A_112 : i32 to vector<16xi32>
    %add3A_114 = arith.addi %mul3A_111, %add3A_113 : vector<16xi32>
    %mul3A_115 = arith.constant 8 : i32
    %mul3A_116 = vector.broadcast %mul3A_115 : i32 to vector<16xi32>
    %mul3A_117 = arith.muli %iota3A, %mul3A_116 : vector<16xi32>
    %add3A_118 = arith.constant 258 : i32
    %add3A_119 = vector.broadcast %add3A_118 : i32 to vector<16xi32>
    %add3A_120 = arith.addi %mul3A_117, %add3A_119 : vector<16xi32>
    %mul3A_121 = arith.constant 8 : i32
    %mul3A_122 = vector.broadcast %mul3A_121 : i32 to vector<16xi32>
    %mul3A_123 = arith.muli %iota3A, %mul3A_122 : vector<16xi32>
    %add3A_124 = arith.constant 259 : i32
    %add3A_125 = vector.broadcast %add3A_124 : i32 to vector<16xi32>
    %add3A_126 = arith.addi %mul3A_123, %add3A_125 : vector<16xi32>
    %mul3A_127 = arith.constant 8 : i32
    %mul3A_128 = vector.broadcast %mul3A_127 : i32 to vector<16xi32>
    %mul3A_129 = arith.muli %iota3A, %mul3A_128 : vector<16xi32>
    %add3A_130 = arith.constant 260 : i32
    %add3A_131 = vector.broadcast %add3A_130 : i32 to vector<16xi32>
    %add3A_132 = arith.addi %mul3A_129, %add3A_131 : vector<16xi32>
    %mul3A_133 = arith.constant 8 : i32
    %mul3A_134 = vector.broadcast %mul3A_133 : i32 to vector<16xi32>
    %mul3A_135 = arith.muli %iota3A, %mul3A_134 : vector<16xi32>
    %add3A_136 = arith.constant 261 : i32
    %add3A_137 = vector.broadcast %add3A_136 : i32 to vector<16xi32>
    %add3A_138 = arith.addi %mul3A_135, %add3A_137 : vector<16xi32>
    %mul3A_139 = arith.constant 8 : i32
    %mul3A_140 = vector.broadcast %mul3A_139 : i32 to vector<16xi32>
    %mul3A_141 = arith.muli %iota3A, %mul3A_140 : vector<16xi32>
    %add3A_142 = arith.constant 262 : i32
    %add3A_143 = vector.broadcast %add3A_142 : i32 to vector<16xi32>
    %add3A_144 = arith.addi %mul3A_141, %add3A_143 : vector<16xi32>
    %mul3A_145 = arith.constant 8 : i32
    %mul3A_146 = vector.broadcast %mul3A_145 : i32 to vector<16xi32>
    %mul3A_147 = arith.muli %iota3A, %mul3A_146 : vector<16xi32>
    %add3A_148 = arith.constant 263 : i32
    %add3A_149 = vector.broadcast %add3A_148 : i32 to vector<16xi32>
    %add3A_150 = arith.addi %mul3A_147, %add3A_149 : vector<16xi32>
    %mul3A_151 = arith.constant 8 : i32
    %mul3A_152 = vector.broadcast %mul3A_151 : i32 to vector<16xi32>
    %mul3A_153 = arith.muli %iota3A, %mul3A_152 : vector<16xi32>
    %add3A_154 = arith.constant 384 : i32
    %add3A_155 = vector.broadcast %add3A_154 : i32 to vector<16xi32>
    %add3A_156 = arith.addi %mul3A_153, %add3A_155 : vector<16xi32>
    %mul3A_157 = arith.constant 8 : i32
    %mul3A_158 = vector.broadcast %mul3A_157 : i32 to vector<16xi32>
    %mul3A_159 = arith.muli %iota3A, %mul3A_158 : vector<16xi32>
    %add3A_160 = arith.constant 385 : i32
    %add3A_161 = vector.broadcast %add3A_160 : i32 to vector<16xi32>
    %add3A_162 = arith.addi %mul3A_159, %add3A_161 : vector<16xi32>
    %mul3A_163 = arith.constant 8 : i32
    %mul3A_164 = vector.broadcast %mul3A_163 : i32 to vector<16xi32>
    %mul3A_165 = arith.muli %iota3A, %mul3A_164 : vector<16xi32>
    %add3A_166 = arith.constant 386 : i32
    %add3A_167 = vector.broadcast %add3A_166 : i32 to vector<16xi32>
    %add3A_168 = arith.addi %mul3A_165, %add3A_167 : vector<16xi32>
    %mul3A_169 = arith.constant 8 : i32
    %mul3A_170 = vector.broadcast %mul3A_169 : i32 to vector<16xi32>
    %mul3A_171 = arith.muli %iota3A, %mul3A_170 : vector<16xi32>
    %add3A_172 = arith.constant 387 : i32
    %add3A_173 = vector.broadcast %add3A_172 : i32 to vector<16xi32>
    %add3A_174 = arith.addi %mul3A_171, %add3A_173 : vector<16xi32>
    %mul3A_175 = arith.constant 8 : i32
    %mul3A_176 = vector.broadcast %mul3A_175 : i32 to vector<16xi32>
    %mul3A_177 = arith.muli %iota3A, %mul3A_176 : vector<16xi32>
    %add3A_178 = arith.constant 388 : i32
    %add3A_179 = vector.broadcast %add3A_178 : i32 to vector<16xi32>
    %add3A_180 = arith.addi %mul3A_177, %add3A_179 : vector<16xi32>
    %mul3A_181 = arith.constant 8 : i32
    %mul3A_182 = vector.broadcast %mul3A_181 : i32 to vector<16xi32>
    %mul3A_183 = arith.muli %iota3A, %mul3A_182 : vector<16xi32>
    %add3A_184 = arith.constant 389 : i32
    %add3A_185 = vector.broadcast %add3A_184 : i32 to vector<16xi32>
    %add3A_186 = arith.addi %mul3A_183, %add3A_185 : vector<16xi32>
    %mul3A_187 = arith.constant 8 : i32
    %mul3A_188 = vector.broadcast %mul3A_187 : i32 to vector<16xi32>
    %mul3A_189 = arith.muli %iota3A, %mul3A_188 : vector<16xi32>
    %add3A_190 = arith.constant 390 : i32
    %add3A_191 = vector.broadcast %add3A_190 : i32 to vector<16xi32>
    %add3A_192 = arith.addi %mul3A_189, %add3A_191 : vector<16xi32>
    %mul3A_193 = arith.constant 8 : i32
    %mul3A_194 = vector.broadcast %mul3A_193 : i32 to vector<16xi32>
    %mul3A_195 = arith.muli %iota3A, %mul3A_194 : vector<16xi32>
    %add3A_196 = arith.constant 391 : i32
    %add3A_197 = vector.broadcast %add3A_196 : i32 to vector<16xi32>
    %add3A_198 = arith.addi %mul3A_195, %add3A_197 : vector<16xi32>
    %add3A_199 = arith.constant 0 : i32
    %add3A_200 = arith.addi %add3A_4, %add3A_199 : i32
    %dma_start3A = arith.constant 0 : i32
    %dma_start3A_201 = tpu.memref_slice %arg2[%add3A_200, %dma_start3A] : memref<16384x512xf32, #tpu.memory_space<hbm>> -> memref<128x512xf32, #tpu.memory_space<hbm>>
    %dma_start3A_202 = arith.constant 0 : i32
    %dma_start3A_203 = tpu.memref_slice %arg2[%add3A_200, %dma_start3A_202] : memref<16384x512xf32, #tpu.memory_space<hbm>> -> memref<128x512xf32, #tpu.memory_space<hbm>>
    tpu.enqueue_dma source(%dma_start3A_203 : memref<128x512xf32, #tpu.memory_space<hbm>>) target(%arg4 : memref<128x512xf32, #tpu.memory_space<vmem>>) target_semaphore(%arg8 : memref<!tpu.dma_semaphore, #tpu.memory_space<semaphore_mem>>)
    %add3A_204 = arith.constant 0 : i32
    %add3A_205 = arith.addi %add3A_4, %add3A_204 : i32
    %dma_wait3A = arith.constant 0 : i32
    %dma_wait3A_206 = tpu.memref_slice %arg2[%add3A_205, %dma_wait3A] : memref<16384x512xf32, #tpu.memory_space<hbm>> -> memref<128x512xf32, #tpu.memory_space<hbm>>
    %dma_wait3A_207 = arith.constant 0 : i32
    %dma_wait3A_208 = tpu.memref_slice %arg2[%add3A_205, %dma_wait3A_207] : memref<16384x512xf32, #tpu.memory_space<hbm>> -> memref<128x512xf32, #tpu.memory_space<hbm>>
    tpu.wait_dma2 semaphore(%arg8 : memref<!tpu.dma_semaphore, #tpu.memory_space<semaphore_mem>>) src(%dma_wait3A_208 : memref<128x512xf32, #tpu.memory_space<hbm>>) dst(%arg4 : memref<128x512xf32, #tpu.memory_space<vmem>>)
    %parallel_loop3A = arith.constant 0 : i32
    %parallel_loop3A_209 = arith.constant 128 : i32
    %parallel_loop3A_210 = arith.constant 1 : i32
    scf.for %parallel_loop3A_221 = %parallel_loop3A to %parallel_loop3A_209 step %parallel_loop3A_210  : i32 {
      %parallel_loop3A_222 = vector.broadcast %parallel_loop3A_221 : i32 to vector<16xi32>
      %parallel_loop3A_223 = tpu.vector_load_idx %arg4[%parallel_loop3A_222, %add3A_12] : memref<128x512xf32, #tpu.memory_space<vmem>>[vector<16xi32>, vector<16xi32>], vector<16xf32>,
      %parallel_loop3A_224 = tpu.vector_load_idx %arg4[%parallel_loop3A_222, %add3A_18] : memref<128x512xf32, #tpu.memory_space<vmem>>[vector<16xi32>, vector<16xi32>], vector<16xf32>,
      %parallel_loop3A_225 = tpu.vector_load_idx %arg4[%parallel_loop3A_222, %add3A_24] : memref<128x512xf32, #tpu.memory_space<vmem>>[vector<16xi32>, vector<16xi32>], vector<16xf32>,
      %parallel_loop3A_226 = tpu.vector_load_idx %arg4[%parallel_loop3A_222, %add3A_30] : memref<128x512xf32, #tpu.memory_space<vmem>>[vector<16xi32>, vector<16xi32>], vector<16xf32>,
      %parallel_loop3A_227 = tpu.vector_load_idx %arg4[%parallel_loop3A_222, %add3A_36] : memref<128x512xf32, #tpu.memory_space<vmem>>[vector<16xi32>, vector<16xi32>], vector<16xf32>,
      %parallel_loop3A_228 = tpu.vector_load_idx %arg4[%parallel_loop3A_222, %add3A_42] : memref<128x512xf32, #tpu.memory_space<vmem>>[vector<16xi32>, vector<16xi32>], vector<16xf32>,
      %parallel_loop3A_229 = tpu.vector_load_idx %arg4[%parallel_loop3A_222, %add3A_48] : memref<128x512xf32, #tpu.memory_space<vmem>>[vector<16xi32>, vector<16xi32>], vector<16xf32>,
      %parallel_loop3A_230 = tpu.vector_load_idx %arg4[%parallel_loop3A_222, %add3A_54] : memref<128x512xf32, #tpu.memory_space<vmem>>[vector<16xi32>, vector<16xi32>], vector<16xf32>,
      %parallel_loop3A_231 = arith.addf %parallel_loop3A_223, %parallel_loop3A_224 : vector<16xf32>
      %parallel_loop3A_232 = arith.addf %parallel_loop3A_225, %parallel_loop3A_226 : vector<16xf32>
      %parallel_loop3A_233 = arith.addf %parallel_loop3A_231, %parallel_loop3A_232 : vector<16xf32>
      %parallel_loop3A_234 = arith.addf %parallel_loop3A_227, %parallel_loop3A_228 : vector<16xf32>
      %parallel_loop3A_235 = arith.addf %parallel_loop3A_229, %parallel_loop3A_230 : vector<16xf32>
      %parallel_loop3A_236 = arith.addf %parallel_loop3A_234, %parallel_loop3A_235 : vector<16xf32>
      %parallel_loop3A_237 = arith.addf %parallel_loop3A_233, %parallel_loop3A_236 : vector<16xf32>
      %parallel_loop3A_238 = arith.constant 0 : i32
      %parallel_loop3A_239 = vector.broadcast %parallel_loop3A_238 : i32 to vector<16xi32>
      %parallel_loop3A_240 = arith.addi %iota3A, %parallel_loop3A_239 : vector<16xi32>
      %parallel_loop3A_241 = arith.constant 1.250000e-01 : f32
      %parallel_loop3A_242 = vector.broadcast %parallel_loop3A_241 : f32 to vector<16xf32>
      %parallel_loop3A_243 = arith.mulf %parallel_loop3A_237, %parallel_loop3A_242 : vector<16xf32>
      tpu.vector_store_idx %arg6[%parallel_loop3A_240, %parallel_loop3A_222], %parallel_loop3A_243 : memref<64x128xf32, #tpu.memory_space<vmem>>[vector<16xi32>, vector<16xi32>], vector<16xf32>,
      %parallel_loop3A_244 = tpu.vector_load_idx %arg4[%parallel_loop3A_222, %add3A_60] : memref<128x512xf32, #tpu.memory_space<vmem>>[vector<16xi32>, vector<16xi32>], vector<16xf32>,
      %parallel_loop3A_245 = tpu.vector_load_idx %arg4[%parallel_loop3A_222, %add3A_66] : memref<128x512xf32, #tpu.memory_space<vmem>>[vector<16xi32>, vector<16xi32>], vector<16xf32>,
      %parallel_loop3A_246 = tpu.vector_load_idx %arg4[%parallel_loop3A_222, %add3A_72] : memref<128x512xf32, #tpu.memory_space<vmem>>[vector<16xi32>, vector<16xi32>], vector<16xf32>,
      %parallel_loop3A_247 = tpu.vector_load_idx %arg4[%parallel_loop3A_222, %add3A_78] : memref<128x512xf32, #tpu.memory_space<vmem>>[vector<16xi32>, vector<16xi32>], vector<16xf32>,
      %parallel_loop3A_248 = tpu.vector_load_idx %arg4[%parallel_loop3A_222, %add3A_84] : memref<128x512xf32, #tpu.memory_space<vmem>>[vector<16xi32>, vector<16xi32>], vector<16xf32>,
      %parallel_loop3A_249 = tpu.vector_load_idx %arg4[%parallel_loop3A_222, %add3A_90] : memref<128x512xf32, #tpu.memory_space<vmem>>[vector<16xi32>, vector<16xi32>], vector<16xf32>,
      %parallel_loop3A_250 = tpu.vector_load_idx %arg4[%parallel_loop3A_222, %add3A_96] : memref<128x512xf32, #tpu.memory_space<vmem>>[vector<16xi32>, vector<16xi32>], vector<16xf32>,
      %parallel_loop3A_251 = tpu.vector_load_idx %arg4[%parallel_loop3A_222, %add3A_102] : memref<128x512xf32, #tpu.memory_space<vmem>>[vector<16xi32>, vector<16xi32>], vector<16xf32>,
      %parallel_loop3A_252 = arith.addf %parallel_loop3A_244, %parallel_loop3A_245 : vector<16xf32>
      %parallel_loop3A_253 = arith.addf %parallel_loop3A_246, %parallel_loop3A_247 : vector<16xf32>
      %parallel_loop3A_254 = arith.addf %parallel_loop3A_252, %parallel_loop3A_253 : vector<16xf32>
      %parallel_loop3A_255 = arith.addf %parallel_loop3A_248, %parallel_loop3A_249 : vector<16xf32>
      %parallel_loop3A_256 = arith.addf %parallel_loop3A_250, %parallel_loop3A_251 : vector<16xf32>
      %parallel_loop3A_257 = arith.addf %parallel_loop3A_255, %parallel_loop3A_256 : vector<16xf32>
      %parallel_loop3A_258 = arith.addf %parallel_loop3A_254, %parallel_loop3A_257 : vector<16xf32>
      %parallel_loop3A_259 = arith.constant 16 : i32
      %parallel_loop3A_260 = vector.broadcast %parallel_loop3A_259 : i32 to vector<16xi32>
      %parallel_loop3A_261 = arith.addi %iota3A, %parallel_loop3A_260 : vector<16xi32>
      %parallel_loop3A_262 = arith.constant 1.250000e-01 : f32
      %parallel_loop3A_263 = vector.broadcast %parallel_loop3A_262 : f32 to vector<16xf32>
      %parallel_loop3A_264 = arith.mulf %parallel_loop3A_258, %parallel_loop3A_263 : vector<16xf32>
      tpu.vector_store_idx %arg6[%parallel_loop3A_261, %parallel_loop3A_222], %parallel_loop3A_264 : memref<64x128xf32, #tpu.memory_space<vmem>>[vector<16xi32>, vector<16xi32>], vector<16xf32>,
      %parallel_loop3A_265 = tpu.vector_load_idx %arg4[%parallel_loop3A_222, %add3A_108] : memref<128x512xf32, #tpu.memory_space<vmem>>[vector<16xi32>, vector<16xi32>], vector<16xf32>,
      %parallel_loop3A_266 = tpu.vector_load_idx %arg4[%parallel_loop3A_222, %add3A_114] : memref<128x512xf32, #tpu.memory_space<vmem>>[vector<16xi32>, vector<16xi32>], vector<16xf32>,
      %parallel_loop3A_267 = tpu.vector_load_idx %arg4[%parallel_loop3A_222, %add3A_120] : memref<128x512xf32, #tpu.memory_space<vmem>>[vector<16xi32>, vector<16xi32>], vector<16xf32>,
      %parallel_loop3A_268 = tpu.vector_load_idx %arg4[%parallel_loop3A_222, %add3A_126] : memref<128x512xf32, #tpu.memory_space<vmem>>[vector<16xi32>, vector<16xi32>], vector<16xf32>,
      %parallel_loop3A_269 = tpu.vector_load_idx %arg4[%parallel_loop3A_222, %add3A_132] : memref<128x512xf32, #tpu.memory_space<vmem>>[vector<16xi32>, vector<16xi32>], vector<16xf32>,
      %parallel_loop3A_270 = tpu.vector_load_idx %arg4[%parallel_loop3A_222, %add3A_138] : memref<128x512xf32, #tpu.memory_space<vmem>>[vector<16xi32>, vector<16xi32>], vector<16xf32>,
      %parallel_loop3A_271 = tpu.vector_load_idx %arg4[%parallel_loop3A_222, %add3A_144] : memref<128x512xf32, #tpu.memory_space<vmem>>[vector<16xi32>, vector<16xi32>], vector<16xf32>,
      %parallel_loop3A_272 = tpu.vector_load_idx %arg4[%parallel_loop3A_222, %add3A_150] : memref<128x512xf32, #tpu.memory_space<vmem>>[vector<16xi32>, vector<16xi32>], vector<16xf32>,
      %parallel_loop3A_273 = arith.addf %parallel_loop3A_265, %parallel_loop3A_266 : vector<16xf32>
      %parallel_loop3A_274 = arith.addf %parallel_loop3A_267, %parallel_loop3A_268 : vector<16xf32>
      %parallel_loop3A_275 = arith.addf %parallel_loop3A_273, %parallel_loop3A_274 : vector<16xf32>
      %parallel_loop3A_276 = arith.addf %parallel_loop3A_269, %parallel_loop3A_270 : vector<16xf32>
      %parallel_loop3A_277 = arith.addf %parallel_loop3A_271, %parallel_loop3A_272 : vector<16xf32>
      %parallel_loop3A_278 = arith.addf %parallel_loop3A_276, %parallel_loop3A_277 : vector<16xf32>
      %parallel_loop3A_279 = arith.addf %parallel_loop3A_275, %parallel_loop3A_278 : vector<16xf32>
      %parallel_loop3A_280 = arith.constant 32 : i32
      %parallel_loop3A_281 = vector.broadcast %parallel_loop3A_280 : i32 to vector<16xi32>
      %parallel_loop3A_282 = arith.addi %iota3A, %parallel_loop3A_281 : vector<16xi32>
      %parallel_loop3A_283 = arith.constant 1.250000e-01 : f32
      %parallel_loop3A_284 = vector.broadcast %parallel_loop3A_283 : f32 to vector<16xf32>
      %parallel_loop3A_285 = arith.mulf %parallel_loop3A_279, %parallel_loop3A_284 : vector<16xf32>
      tpu.vector_store_idx %arg6[%parallel_loop3A_282, %parallel_loop3A_222], %parallel_loop3A_285 : memref<64x128xf32, #tpu.memory_space<vmem>>[vector<16xi32>, vector<16xi32>], vector<16xf32>,
      %parallel_loop3A_286 = tpu.vector_load_idx %arg4[%parallel_loop3A_222, %add3A_156] : memref<128x512xf32, #tpu.memory_space<vmem>>[vector<16xi32>, vector<16xi32>], vector<16xf32>,
      %parallel_loop3A_287 = tpu.vector_load_idx %arg4[%parallel_loop3A_222, %add3A_162] : memref<128x512xf32, #tpu.memory_space<vmem>>[vector<16xi32>, vector<16xi32>], vector<16xf32>,
      %parallel_loop3A_288 = tpu.vector_load_idx %arg4[%parallel_loop3A_222, %add3A_168] : memref<128x512xf32, #tpu.memory_space<vmem>>[vector<16xi32>, vector<16xi32>], vector<16xf32>,
      %parallel_loop3A_289 = tpu.vector_load_idx %arg4[%parallel_loop3A_222, %add3A_174] : memref<128x512xf32, #tpu.memory_space<vmem>>[vector<16xi32>, vector<16xi32>], vector<16xf32>,
      %parallel_loop3A_290 = tpu.vector_load_idx %arg4[%parallel_loop3A_222, %add3A_180] : memref<128x512xf32, #tpu.memory_space<vmem>>[vector<16xi32>, vector<16xi32>], vector<16xf32>,
      %parallel_loop3A_291 = tpu.vector_load_idx %arg4[%parallel_loop3A_222, %add3A_186] : memref<128x512xf32, #tpu.memory_space<vmem>>[vector<16xi32>, vector<16xi32>], vector<16xf32>,
      %parallel_loop3A_292 = tpu.vector_load_idx %arg4[%parallel_loop3A_222, %add3A_192] : memref<128x512xf32, #tpu.memory_space<vmem>>[vector<16xi32>, vector<16xi32>], vector<16xf32>,
      %parallel_loop3A_293 = tpu.vector_load_idx %arg4[%parallel_loop3A_222, %add3A_198] : memref<128x512xf32, #tpu.memory_space<vmem>>[vector<16xi32>, vector<16xi32>], vector<16xf32>,
      %parallel_loop3A_294 = arith.addf %parallel_loop3A_286, %parallel_loop3A_287 : vector<16xf32>
      %parallel_loop3A_295 = arith.addf %parallel_loop3A_288, %parallel_loop3A_289 : vector<16xf32>
      %parallel_loop3A_296 = arith.addf %parallel_loop3A_294, %parallel_loop3A_295 : vector<16xf32>
      %parallel_loop3A_297 = arith.addf %parallel_loop3A_290, %parallel_loop3A_291 : vector<16xf32>
      %parallel_loop3A_298 = arith.addf %parallel_loop3A_292, %parallel_loop3A_293 : vector<16xf32>
      %parallel_loop3A_299 = arith.addf %parallel_loop3A_297, %parallel_loop3A_298 : vector<16xf32>
      %parallel_loop3A_300 = arith.addf %parallel_loop3A_296, %parallel_loop3A_299 : vector<16xf32>
      %parallel_loop3A_301 = arith.constant 48 : i32
      %parallel_loop3A_302 = vector.broadcast %parallel_loop3A_301 : i32 to vector<16xi32>
      %parallel_loop3A_303 = arith.addi %iota3A, %parallel_loop3A_302 : vector<16xi32>
      %parallel_loop3A_304 = arith.constant 1.250000e-01 : f32
      %parallel_loop3A_305 = vector.broadcast %parallel_loop3A_304 : f32 to vector<16xf32>
      %parallel_loop3A_306 = arith.mulf %parallel_loop3A_300, %parallel_loop3A_305 : vector<16xf32>
      tpu.vector_store_idx %arg6[%parallel_loop3A_303, %parallel_loop3A_222], %parallel_loop3A_306 : memref<64x128xf32, #tpu.memory_space<vmem>>[vector<16xi32>, vector<16xi32>], vector<16xf32>,
    } {sc.loop_unroll_factor = 4 : i64, sc.parallel_access}
    %add3A_211 = arith.constant 0 : i32
    %add3A_212 = arith.addi %mul3A_6, %add3A_211 : i32
    %dma_start3A_213 = arith.constant 0 : i32
    %dma_start3A_214 = tpu.memref_slice %arg3[%dma_start3A_213, %add3A_212] : memref<64x4096xf32, #tpu.memory_space<hbm>> -> memref<64x128xf32, #tpu.memory_space<hbm>>
    %dma_start3A_215 = arith.constant 0 : i32
    %dma_start3A_216 = tpu.memref_slice %arg3[%dma_start3A_215, %add3A_212] : memref<64x4096xf32, #tpu.memory_space<hbm>> -> memref<64x128xf32, #tpu.memory_space<hbm>>
    tpu.enqueue_dma source(%arg6 : memref<64x128xf32, #tpu.memory_space<vmem>>) target(%dma_start3A_216 : memref<64x128xf32, #tpu.memory_space<hbm>>) target_semaphore(%arg10 : memref<!tpu.dma_semaphore, #tpu.memory_space<semaphore_mem>>)
    %dma_wait3A_217 = arith.constant 0 : i32
    %dma_wait3A_218 = tpu.memref_slice %arg3[%dma_wait3A_217, %add3A_212] : memref<64x4096xf32, #tpu.memory_space<hbm>> -> memref<64x128xf32, #tpu.memory_space<hbm>>
    %dma_wait3A_219 = arith.constant 0 : i32
    %dma_wait3A_220 = tpu.memref_slice %arg3[%dma_wait3A_219, %add3A_212] : memref<64x4096xf32, #tpu.memory_space<hbm>> -> memref<64x128xf32, #tpu.memory_space<hbm>>
    tpu.wait_dma2 semaphore(%arg10 : memref<!tpu.dma_semaphore, #tpu.memory_space<semaphore_mem>>) src(%arg6 : memref<64x128xf32, #tpu.memory_space<vmem>>) dst(%dma_wait3A_220 : memref<64x128xf32, #tpu.memory_space<hbm>>)
    return
  }
}

module attributes {stable_mosaic.version = 14 : i64} {
  func.func @_tc_body(%arg0: i32, %arg1: memref<4096x512xf32, #tpu.memory_space<vmem>>, %arg2: memref<512x64xf32, #tpu.memory_space<vmem>>, %arg3: memref<64x4096xf32, #tpu.memory_space<vmem>>) attributes {dimension_semantics = [#tpu.dimension_semantics<arbitrary>], iteration_bounds = array<i64: 3>, scalar_prefetch = 0 : i64, scratch_operands = 0 : i64, tpu.core_type = #tpu.core_type<tc>, window_params = [{transform_indices = @transform_0, window_bounds = array<i64: 4096, 512>}, {pipeline_mode = #tpu.pipeline_mode<synchronous>, transform_indices = @transform_1, window_bounds = array<i64: 512, 64>}, {transform_indices = @transform_2, window_bounds = array<i64: 64, 4096>}]} {
    %get3A = arith.constant 0 : index
    %get3A_0 = arith.constant 0 : index
    %get3A_1 = vector.load %arg2[%get3A, %get3A_0] : memref<512x64xf32, #tpu.memory_space<vmem>>, vector<512x64xf32>
    %get3A_2 = arith.constant 0 : index
    %get3A_3 = arith.constant 0 : index
    %get3A_4 = vector.load %arg1[%get3A_2, %get3A_3] : memref<4096x512xf32, #tpu.memory_space<vmem>>, vector<4096x512xf32>
    %dot_general3A = arith.constant dense<0.000000e+00> : vector<64x4096xf32>
    %dot_general3A_5 = tpu.matmul %get3A_1, %get3A_4, %dot_general3A {dimension_numbers = #tpu.dot_dimension_numbers<[0], [1], [1], [0], [0, 1, 1, 0], [], []>, transpose_lhs_hint = false} : vector<512x64xf32>, vector<4096x512xf32>, vector<64x4096xf32> -> vector<64x4096xf32>
    %swap3A = arith.constant 0 : index
    %swap3A_6 = arith.constant 0 : index
    %swap3A_7 = vector.load %arg3[%swap3A, %swap3A_6] : memref<64x4096xf32, #tpu.memory_space<vmem>>, vector<64x4096xf32>
    tpu.vector_store %arg3[%swap3A, %swap3A_6], %dot_general3A_5 {strides = array<i32>} : memref<64x4096xf32, #tpu.memory_space<vmem>>, vector<64x4096xf32>,
    return
  }
  func.func @transform_0(%arg0: i32) -> (i32, i32) {
    %c0_i32 = arith.constant 0 : i32
    %c0_i32_0 = arith.constant 0 : i32
    return %arg0, %c0_i32 : i32, i32
  }
  func.func @transform_1(%arg0: i32) -> (i32, i32) {
    %c0_i32 = arith.constant 0 : i32
    %c0_i32_0 = arith.constant 0 : i32
    %c0_i32_1 = arith.constant 0 : i32
    return %c0_i32, %c0_i32_0 : i32, i32
  }
  func.func @transform_2(%arg0: i32) -> (i32, i32) {
    %c0_i32 = arith.constant 0 : i32
    %c0_i32_0 = arith.constant 0 : i32
    return %c0_i32, %arg0 : i32, i32
  }
}

</mosaic_0001>

<sc_bundles>
// kernel: kernel.4.cloned.1.call-start
scs
__scs_entry_jumppad:
0x0: {  	(pc) =	sbr.rel $0x88, $3  }
0x1: {  	(tag) =	ssettag $0x0;
	lr =	simm.s32 $0x1  }
0x2: {  	[smem:$0x3FA0] =	sst lr;
	_ =	strace $0xD0000000  }
0x3: {  	_ = 	snop  }
0x4: {  	_ = 	snop  }
0x5: {  	_ = 	snop  }
0x6: {  	_ = 	snop  }
0x7: {  	_ = 	snop  }
__scs_overlays_trampoline_lowered:
0x8: {  	[smem:$0x3FAF] =	sst s0  }
0x9: {  	[smem:$0x3FB0] =	sst s1  }
0xa: {  	[smem:$0x3FB1] =	sst s2  }
0xb: {  	[smem:$0x3FB2] =	sst s3  }
0xc: {  	[smem:$0x3FB3] =	sst s4  }
0xd: {  	[smem:$0x3FB4] =	sst s5  }
0xe: {  	[smem:$0x3FB5] =	sst s6  }
0xf: {  	[smem:$0x3FB6] =	sst s7  }
0x10: {  	[smem:$0x3FB7] =	sst s8  }
0x11: {  	[smem:$0x3FB8] =	sst s9;
	s0 =	simm.s32 @!p0 $0x0  }
0x12: {  	s1 =	sld [smem:$0x3F9E];
	s0 =	simm.s32 @p0 $0x1  }
0x13: {  	[smem:$0x3FB9] =	sst s0;
	s0 =	simm.s32 @!p1 $0x0  }
0x14: {  	s2 =	sld [smem:$0x3F9D];
	s0 =	simm.s32 @p1 $0x1  }
0x15: {  	[smem:$0x3FBA] =	sst s0;
	s0 =	simm.s32 @!p2 $0x0  }
0x16: {  	s3 =	sld [smem:$0x3FDB];
	s0 =	simm.s32 @p2 $0x1  }
0x17: {  	s4 =	simm.s32 $0x1BF5;
	[smem:$0x3FBC] =	sst s0  }
0x18: {  	s0 =	sld [smem:$0x3F9F];
	_ =	swait.ge [sflag:s4], $0x0  }
0x19: {  	s7 =	sld [smem:$0x3FA0]  }
0x1a: {  	s8 =	sadd.s32 $0xFFFFE003, lr  }
0x1b: {  	s9 =	sadd.s32 $0xFFFFFEF7, lr;
	s5 =	simm.s32 $0xFFFFFFFF;
	p2 =	slt.u32 s8, $0xFFFFF086  }
0x1c: {  	p1 =	slt.u32 s9, $0xF7A;
	s5 =	simm.s32 @!p2 $0x0  }
0x1d: {  	s5 =	simm.s32 @p1 $0x1;
	p0 =	seq.s32 s7, s2  }
0x1e: {  	s7 =	smul.u32 @!p0 $0xF7A, s2;
	p2 =	seq.s32 @!p0 s5, $0x0  }
0x1f: {  	s9 =	smul.u32 $0xF7A, s1;
	s8 =	simm.s32 @!p0 $0x1BF5;
	p2 =	por !p2, p0  }
0x20: {  	[sflag:s8] =	ssyncset.s32 @!p0 $0xFFFFF086;
	s6 =	sadd.s32 @!p0 s3, s7;
	s7 =	simm.s32 @!p0 $0x108  }
0x21: {  	s3 =	sadd.s32 s3, s9;
	s6 =	sadd.s32 @!p0 $0x88, s6;
	s7 =	simm.s32 @p2 $0x1082  }
0x22: {  	[simem:s7], [sflag:s8] =	dma.local @!p0 [hbm:s6], $0xF7A  }
0x23: {  	s9 =	sor.u32 $0xD0000000, s2;
	s6 =	simm.s32 $0x108;
	_ =	swait.ge @!p0 [sflag:s8], $0x0  }
0x24: {  	s3 =	sadd.s32 $0x88, s3;
	s6 =	simm.s32 @!p1 $0x1082;
	[sflag:s4] =	ssyncset.s32 $0xFFFFF086  }
0x25: {  	[simem:s6], [sflag:s4] =	dma.local [hbm:s3], $0xF7A  }
0x26: {  	[smem:$0x3FA0] =	sst s1;
	(tag) =	ssettag s2;
	_ =	strace s9  }
0x27: {  	s1 =	sld [smem:$0x3FB0]  }
0x28: {  	s2 =	sld [smem:$0x3FB1]  }
0x29: {  	s4 =	sld [smem:$0x3FB3]  }
0x2a: {  	p0 =	seq.s32 s5, $0x0;
	s5 =	sld [smem:$0x3FB4]  }
0x2b: {  	s6 =	sld [smem:$0x3FB5]  }
0x2c: {  	s7 =	sld [smem:$0x3FB6]  }
0x2d: {  	s3 =	simm.s32 $0x108;
	s8 =	sld [smem:$0x3FB7]  }
0x2e: {  	s3 =	simm.s32 @!p0 $0x1082;
	s9 =	sld [smem:$0x3FB8]  }
0x2f: {  	lr =	sadd.s32 s0, s3;
	s0 =	sld [smem:$0x3FAF]  }
0x30: {  	s3 =	sld [smem:$0x3FB2]  }
0x31: {  	[smem:$0x3FBB] =	sst s10  }
0x32: {  	s10 =	sld [smem:$0x3FB9];
	_ =	sdelay $0x3  }
0x33: {  	p0 =	seq.s32 s10, $0x1;
	s10 =	sld [smem:$0x3FBB];
	_ =	sdelay $0x3  }
0x34: {  	[smem:$0x3FBB] =	sst s10  }
0x35: {  	s10 =	sld [smem:$0x3FBA];
	_ =	sdelay $0x3  }
0x36: {  	p1 =	seq.s32 s10, $0x1;
	s10 =	sld [smem:$0x3FBB];
	_ =	sdelay $0x3  }
0x37: {  	[smem:$0x3FBB] =	sst s10  }
0x38: {  	s10 =	sld [smem:$0x3FBC]  }
0x39: {  	_ = 	snop;
	(pc) =	sbr.ind lr, $3  }
0x3a: {  	_ = 	snop  }
0x3b: {  	_ = 	snop  }
0x3c: {  	p2 =	seq.s32 s10, $0x1;
	s10 =	sld [smem:$0x3FBB]  }
0x3d: {  	_ =	shalt  }
0x3e: {  	_ =	shalt  }
0x3f: {  	_ =	shalt  }
0x40: {  	_ =	shalt  }
0x41: {  	_ =	shalt  }
0x42: {  	_ =	shalt  }
0x43: {  	_ =	shalt  }
0x44: {  	_ =	shalt  }
0x45: {  	_ =	shalt  }
0x46: {  	_ =	shalt  }
0x47: {  	_ =	shalt  }
0x48: {  	_ =	shalt  }
0x49: {  	_ =	shalt  }
0x4a: {  	_ =	shalt  }
0x4b: {  	_ =	shalt  }
0x4c: {  	_ =	shalt  }
0x4d: {  	_ =	shalt  }
0x4e: {  	_ =	shalt  }
0x4f: {  	_ =	shalt  }
0x50: {  	_ =	shalt  }
0x51: {  	_ =	shalt  }
0x52: {  	_ =	shalt  }
0x53: {  	_ =	shalt  }
0x54: {  	_ =	shalt  }
0x55: {  	_ =	shalt  }
0x56: {  	_ =	shalt  }
0x57: {  	_ =	shalt  }
0x58: {  	_ =	shalt  }
0x59: {  	_ =	shalt  }
0x5a: {  	_ =	shalt  }
0x5b: {  	_ =	shalt  }
0x5c: {  	_ =	shalt  }
0x5d: {  	_ =	shalt  }
0x5e: {  	_ =	shalt  }
0x5f: {  	_ =	shalt  }
0x60: {  	_ =	shalt  }
0x61: {  	_ =	shalt  }
0x62: {  	_ =	shalt  }
0x63: {  	_ =	shalt  }
0x64: {  	_ =	shalt  }
0x65: {  	_ =	shalt  }
0x66: {  	_ =	shalt  }
0x67: {  	_ =	shalt  }
0x68: {  	_ =	shalt  }
0x69: {  	_ =	shalt  }
0x6a: {  	_ =	shalt  }
0x6b: {  	_ =	shalt  }
0x6c: {  	_ =	shalt  }
0x6d: {  	_ =	shalt  }
0x6e: {  	_ =	shalt  }
0x6f: {  	_ =	shalt  }
0x70: {  	_ =	shalt  }
0x71: {  	_ =	shalt  }
0x72: {  	_ =	shalt  }
0x73: {  	_ =	shalt  }
0x74: {  	_ =	shalt  }
0x75: {  	_ =	shalt  }
0x76: {  	_ =	shalt  }
0x77: {  	_ =	shalt  }
0x78: {  	_ =	shalt  }
0x79: {  	_ =	shalt  }
0x7a: {  	_ =	shalt  }
0x7b: {  	_ =	shalt  }
0x7c: {  	_ =	shalt  }
0x7d: {  	_ =	shalt  }
0x7e: {  	_ =	shalt  }
0x7f: {  	_ =	shalt  }
0x80: {  	_ =	shalt  }
0x81: {  	_ =	shalt  }
0x82: {  	_ =	shalt  }
0x83: {  	_ =	shalt  }
0x84: {  	_ =	shalt  }
0x85: {  	_ =	shalt  }
0x86: {  	_ =	shalt  }
0x87: {  	_ =	shalt  }
.Lfunc_end0:
.L_simem_size_0:
called_computation_lowered:
.L_overlay_start_0:
0x88: {  	s2 =	sld [smem:$0x3FD9]  }
0x89: {  	s3 =	sld [smem:$0x3FFE];
	_ =	sdelay $0x1  }
0x8a: {  	s1 =	srdreg.scid  }
0x8b: {  	s0 =	sand.u32 $0x1, s1  }
0x8c: {  	s17 =	sshll.u32 s0, $0xA;
	s2 =	sadd.s32 s3, s2  }
0x8d: {  	s2 =	sadd.s32 s2, s17  }
0x8e: {  	[smem:$0x3FC7] =	sst s2  }
0x8f: {  	_ = 	snop  }
0x90: {  	s2 =	sld [smem:$0x3FC9];
	(tm) =	ssettm $0x1  }
0x91: {  	s18 =	sld [smem:$0x3FFB];
	_ =	sdelay $0x3  }
0x92: {  	_ =	strace s18  }
0x93: {  	s3 =	sld [smem:$0x3FFC];
	_ =	sdelay $0x3  }
0x94: {  	_ =	strace s3  }
0x95: {  	s3 =	sld [smem:$0x3FFD];
	_ =	sdelay $0x3  }
0x96: {  	_ =	strace s3  }
0x97: {  	_ =	strace $0x8FFFFFFF  }
0x98: {  	s19 =	sld [smem:$0x3FDB];
	_ =	sdelay $0x1  }
0x99: {  	s4 =	simm.s32 $_scs_section_size  }
0x9a: {  	s5 =	simm.s32 $_size__tile_overlayer_lowered;
	s6 =	simm.s32 $_tile_overlayer_lowered  }
0x9b: {  	s22 =	simm.s32 $0x1BFF;
	s21 =	sshll.u32 s6, $0x1;
	s3 =	sadd.s32 s4, s19  }
0x9c: {  	s7 =	simm.s32 $0x0;
	s20 =	sshll.u32 s5, $0x1;
	s5 =	sadd.s32 s21, s3  }
0x9d: {  	[timem:s7], [sflag:s22] =	dma.local [hbm:s5], s20  }
0x9e: {  	_ =	swait.ge [sflag:s22], s20  }
0x9f: {  	s4 =	ssub.s32 $0x0, s20;
	[sflag:s22] =	ssyncset.done $0x0  }
0xa0: {  	[sflag:s22] =	ssyncadd.s32 s4;
	_ =	sdelay $0x1  }
0xa1: {  	s23 =	simm.s32 $0x1B8B  }
0xa2: {  	_ =	swait.ge [sflag:s23], $0x1  }
0xa3: {  	[sflag:s23] =	ssyncset.done $0x0  }
0xa4: {  	s25 =	simm.s32 $0x1B8E;
	s24 =	sld [smem:$0x3FFE];
	[sflag:s23] =	ssyncadd.s32 $0xFFFFFFFF  }
0xa5: {  	s26 =	simm.s32 $execute0_lowered;
	[smem:$0x3FD2] =	sst s25  }
0xa6: {  	s5 =	sshll.u32 s26, $0x1;
	_ =	strace $0x80000046;
	[dreg:$0x1] =	wrdreg $0xFFFFFFFF  }
0xa7: {  	s28 =	simm.s32 $_size_execute0_lowered;
	s3 =	sadd.s32 s3, s5;
	[dreg:$0x0] =	wrdreg $0x0  }
0xa8: {  	s5 =	sshll.u32 s28, $0x1;
	[dreg:$0x2] =	wrdreg s3  }
0xa9: {  	[dreg:$0x3] =	wrdreg s5  }
0xaa: {  	[dreg:$0x4] =	wrdreg $0xC0  }
0xab: {  	_ =	task [dreg:s7], $0x5FFFF  }
0xac: {  	[dreg:$0x1] =	wrdreg $0xFFFFFFFF  }
0xad: {  	[dreg:$0x0] =	wrdreg $0x60  }
0xae: {  	[dreg:$0x2] =	wrdreg s2  }
0xaf: {  	[dreg:$0x3] =	wrdreg s24  }
0xb0: {  	[dreg:$0x4] =	wrdreg $0x9  }
0xb1: {  	_ =	task.clear_ibuf [dreg:s7], $0x5FFFF;
	_ =	strace $0x90000046  }
0xb2: {  	s29 =	simm.s32 $0x9;
	_ =	strace $0x80000048  }
0xb3: {  	_ =	swait.ge [sflag:s29], $0x1  }
0xb4: {  	[sflag:s29] =	ssyncadd.s32 $0xFFFFFFFF  }
0xb5: {  	_ =	strace $0x90000048  }
0xb6: {  	_ =	sfence  }
0xb7: {  	s30 =	sld [smem:$0x0];
	_ =	sdelay $0x2  }
0xb8: {  	s31 =	sshll.u32 s1, $0xD;
	s1 =	sshrl.u32 s1, $0x2  }
0xb9: {  	s3 =	sand.u32 $0x4000, s31;
	s1 =	sadd.s32 s1, s30  }
0xba: {  	s0 =	sor.u32 s3, s0;
	s1 =	sshll.u32 s1, $0x11  }
0xbb: {  	s0 =	sor.u32 s1, s0  }
0xbc: {  	s0 =	sadd.s32 $0x8F2B, s0  }
0xbd: {  	[sflag:s0] =	ssyncadd.remote.s32 $0x1  }
0xbe: {  	_ =	sfence.sel $0xFFFF  }
0xbf: {  	[dreg:$0x0] =	wrdreg $0xFFFFFFFF;
	(pc) =	sbr.abs _section_cstart, $3  }
0xc0: {  	[dreg:$0x1] =	wrdreg $0xFFFFFFFF  }
0xc1: {  	_ =	task.clear_ibuf [dreg:s7], $0x2FFFF;
	_ =	strace $0x9FFFFFFF  }
0xc2: {  	(tm) =	ssettm $0x7FFFFFFF  }
0xc3: {  	_ =	shalt  }
tec
execute0_lowered:
.L_overlay_start_1:
0x0: {  	(tag) =	ssettag $0x1  }
0x1: {  	v8 =	vlaneseq.u32  }
0x2: {  	v0 =	vmul.u32 $0x8, v8;
	_ =	sdelay $0x1  }
0x3: {  	v11 =	vmul.u32 $0x80, v8;
	v1 =	vor.u32 $0x1, v0  }
0x4: {  	v2 =	vor.u32 $0x2, v0;
	v3 =	vor.u32 $0x3, v0;
	v4 =	vor.u32 $0x4, v0  }
0x5: {  	s3 =	rddreg [dreg:$0x0];
	v5 =	vor.u32 $0x5, v0;
	v6 =	vor.u32 $0x6, v0;
	v7 =	vor.u32 $0x7, v0  }
0x6: {  	s4 =	rddreg [dreg:$0x1];
	s2 =	srdreg.scid;
	v12 =	vor.u32 $0x400, v0;
	v13 =	vor.u32 $0x401, v0;
	v17 =	vor.u32 $0x402, v0  }
0x7: {  	s0 =	rddreg [dreg:$0x2];
	s5 =	sand.u32 $0x1, s2;
	s2 =	simm.s32 $0x0;
	v16 =	vor.u32 $0x403, v0;
	v61 =	vor.u32 $0x404, v0;
	v18 =	vor.u32 $0x405, v0  }
0x8: {  	s1 =	stileid.u32;
	s9 =	simm.s32 $0x8000;
	[smem:$0x7FF] =	sst s2;
	v19 =	vor.u32 $0x406, v0;
	v20 =	vor.u32 $0x407, v0;
	v21 =	vor.u32 $0x800, v11  }
0x9: {  	s10 =	simm.s32 $0x2;
	s11 =	simm.s32 $0x0;
	v22 =	vor.u32 $0x800, v0;
	v23 =	vor.u32 $0x801, v0;
	v24 =	vor.u32 $0x802, v0;
	_ =	strace $0x80000047;
	[tilespmem:$0x1FFA0] =	vst v1  }
0xa: {  	s6 =	sshll.u32 s1, $0x8;
	s7 =	sshll.u32 s5, $0x7;
	s5 =	ssub.s32 $0x2, s5;
	v25 =	vor.u32 $0x803, v0;
	v15 =	vor.u32 $0x804, v0;
	v27 =	vor.u32 $0x805, v0;
	[tilespmem:$0x1FFB0] =	vst v3  }
0xb: {  	s6 =	sor.u32 s7, s6;
	s31 =	sshrl.u32 s5, $0x1;
	v28 =	vor.u32 $0x806, v0;
	v29 =	vor.u32 $0x807, v0;
	v30 =	vor.u32 $0x1000, v11;
	s7 =	simm.s32 $0x10000;
	[tilespmem:$0x1FFC0] =	vst v2  }
0xc: {  	v31 =	vor.u32 $0xC00, v0;
	v32 =	vor.u32 $0xC01, v0;
	v33 =	vor.u32 $0xC02, v0;
	s8 =	sshll.u32 s6, $0x6;
	s4 =	sadd.s32 s6, s4;
	s5 =	ssub.s32 s5, s31;
	[tilespmem:$0x1FFD0] =	vst v4  }
0xd: {  	v34 =	vor.u32 $0xC03, v0;
	v14 =	vor.u32 $0xC04, v0;
	v10 =	vor.u32 $0xC05, v0;
	s6 =	simm.s32 $0x1;
	[tilespmem:$0x1FFE0] =	vst v12;
	s3 =	sadd.s32 s8, s3;
	s4 =	sadd.s32 $0x400, s4  }
0xe: {  	v35 =	vor.u32 $0xC06, v0;
	v8 =	vor.u32 $0xC07, v0;
	v9 =	vor.u32 $0x1800, v11;
	[tilespmem:$0x1FFF0] =	vst v7;
	s5 =	smax.u32 s5, $0x1;
	s8 =	simm.s32 $0x400;
	s3 =	sadd.s32 $0xC0000, s3  }
.LBB2_1:
0xf: {  	[tilespmem:s2], [sflag:$0x1] =	stream.linear.gather [hbm4b:s3+s2], $0x10000, $0x38;
	[tilespmem:$0x12000] =	vst v63  }
0x10: {  	_ =	swait.ge [sflag:s6], $0x10000  }
0x11: {  	[sflag:s6] =	ssyncset.done $0x0  }
0x12: {  	s12 =	simm.s32 $0x0;
	[sflag:s6] =	ssyncadd.s32 $0xFFFF0000  }
.LBB2_2:
0x13: {  	v36 =	vmov s12  }
0x14: {  	v37 =	vshll.u32 v36, $0x9;
	v36 =	vshll.u32 v36, $0x7  }
0x15: {  	v38 =	vand.u32 $0xF000, v37;
	v39 =	vand.u32 $0x200, v36  }
0x16: {  	v36 =	vor.u32 v39, v38  }
0x17: {  	v38 =	vor.u32 v0, v36  }
0x18: {  	v40 =	vor.u32 v1, v36  }
0x19: {  	v41 =	vor.u32 v2, v36  }
0x1a: {  	v42 =	vor.u32 v3, v36  }
0x1b: {  	v43 =	vor.u32 v4, v36  }
0x1c: {  	v44 =	vor.u32 v5, v36;
	v38 =	vld.idx.msk [tilespmem:v38+s2+$0x0], $0xffff  }
0x1d: {  	v45 =	vor.u32 v6, v36;
	v40 =	vld.idx.msk [tilespmem:v40+s2+$0x0], $0xffff  }
0x1e: {  	v46 =	vor.u32 v7, v36;
	v41 =	vld.idx.msk [tilespmem:v41+s2+$0x0], $0xffff  }
0x1f: {  	v42 =	vld.idx.msk [tilespmem:v42+s2+$0x0], $0xffff  }
0x20: {  	v43 =	vld.idx.msk [tilespmem:v43+s2+$0x0], $0xffff  }
0x21: {  	v44 =	vld.idx.msk [tilespmem:v44+s2+$0x0], $0xffff  }
0x22: {  	v45 =	vld.idx.msk [tilespmem:v45+s2+$0x0], $0xffff  }
0x23: {  	v46 =	vld.idx.msk [tilespmem:v46+s2+$0x0], $0xffff;
	_ =	sdelay $0x3  }
0x24: {  	v38 =	vadd.f32 v40, v38;
	v62 =	vadd.f32 v42, v41  }
0x25: {  	v63 =	vadd.f32 v44, v43;
	v47 =	vadd.f32 v46, v45;
	_ =	sdelay $0x1  }
0x26: {  	v38 =	vadd.f32 v62, v38;
	v48 =	vadd.f32 v47, v63  }
0x27: {  	v49 =	vor.u32 s12, v11  }
0x28: {  	v50 =	vor.u32 v12, v36;
	v38 =	vadd.f32 v48, v38  }
0x29: {  	v51 =	vor.u32 v13, v36  }
0x2a: {  	s13 =	sadd.s32 $0x1, s12;
	v52 =	vor.u32 v17, v36;
	v38 =	vmul.f32 $1.250000000e-01, v38  }
0x2b: {  	v57 =	vmov s13;
	v53 =	vor.u32 v16, v36  }
0x2c: {  	v58 =	vshll.u32 v57, $0x9;
	v54 =	vor.u32 v61, v36;
	[tilespmem:v49+s7+$0x0] =	vst.idx.msk $0xffff, v38  }
0x2d: {  	v55 =	vor.u32 v18, v36;
	v56 =	vor.u32 v19, v36;
	v46 =	vshll.u32 v57, $0x7;
	v40 =	vld.idx.msk [tilespmem:v50+s2+$0x0], $0xffff  }
0x2e: {  	v46 =	vand.u32 $0x280, v46;
	v47 =	vor.u32 v20, v36;
	v36 =	vand.u32 $0xF000, v58;
	v42 =	vld.idx.msk [tilespmem:v51+s2+$0x0], $0xffff  }
0x2f: {  	v36 =	vor.u32 v46, v36;
	v43 =	vld.idx.msk [tilespmem:v52+s2+$0x0], $0xffff  }
0x30: {  	v46 =	vor.u32 v0, v36;
	v44 =	vld.idx.msk [tilespmem:v53+s2+$0x0], $0xffff  }
0x31: {  	v60 =	vor.u32 v6, v36;
	v38 =	vld.idx.msk [tilespmem:v54+s2+$0x0], $0xffff  }
0x32: {  	v63 =	vor.u32 v7, v36;
	v41 =	vld.idx.msk [tilespmem:v55+s2+$0x0], $0xffff  }
0x33: {  	v48 =	vor.u32 v1, v36;
	v45 =	vld.idx.msk [tilespmem:v56+s2+$0x0], $0xffff  }
0x34: {  	v49 =	vor.u32 v2, v36;
	v47 =	vld.idx.msk [tilespmem:v47+s2+$0x0], $0xffff  }
0x35: {  	v50 =	vor.u32 v3, v36;
	v46 =	vld.idx.msk [tilespmem:v46+s2+$0x0], $0xffff  }
0x36: {  	v51 =	vor.u32 v4, v36;
	v57 =	vld.idx.msk [tilespmem:v60+s2+$0x0], $0xffff  }
0x37: {  	v52 =	vor.u32 v5, v36;
	v58 =	vld.idx.msk [tilespmem:v63+s2+$0x0], $0xffff  }
0x38: {  	v40 =	vadd.f32 v42, v40;
	v59 =	vadd.f32 v44, v43;
	v43 =	vld.idx.msk [tilespmem:v48+s2+$0x0], $0xffff  }
0x39: {  	v38 =	vadd.f32 v41, v38;
	v62 =	vadd.f32 v47, v45;
	v45 =	vld.idx.msk [tilespmem:v49+s2+$0x0], $0xffff  }
0x3a: {  	v53 =	vld.idx.msk [tilespmem:v50+s2+$0x0], $0xffff  }
0x3b: {  	v54 =	vld.idx.msk [tilespmem:v51+s2+$0x0], $0xffff;
	v40 =	vadd.f32 v59, v40;
	v38 =	vadd.f32 v62, v38  }
0x3c: {  	v55 =	vor.u32 s12, v21;
	v56 =	vld.idx.msk [tilespmem:v52+s2+$0x0], $0xffff;
	v44 =	vor.u32 v37, v39  }
0x3d: {  	v39 =	vor.u32 v22, v44;
	v38 =	vadd.f32 v38, v40  }
0x3e: {  	v59 =	vor.u32 v23, v44  }
0x3f: {  	v37 =	vadd.f32 v58, v57;
	v60 =	vor.u32 v24, v44;
	v38 =	vmul.f32 $1.250000000e-01, v38  }
0x40: {  	v63 =	vor.u32 v15, v44;
	v62 =	vor.u32 v25, v44;
	v43 =	vadd.f32 v43, v46  }
0x41: {  	v45 =	vadd.f32 v53, v45;
	v41 =	vadd.f32 v56, v54;
	[tilespmem:v55+s7+$0x0] =	vst.idx.msk $0xffff, v38  }
0x42: {  	v52 =	vor.u32 v27, v44;
	v39 =	vld.idx.msk [tilespmem:v39+s2+$0x0], $0xffff  }
0x43: {  	v53 =	vor.u32 v28, v44;
	v43 =	vadd.f32 v45, v43;
	v37 =	vadd.f32 v37, v41;
	v47 =	vld.idx.msk [tilespmem:v59+s2+$0x0], $0xffff  }
0x44: {  	v54 =	vor.u32 v29, v44;
	v55 =	vor.u32 s13, v11;
	v38 =	vld.idx.msk [tilespmem:v60+s2+$0x0], $0xffff  }
0x45: {  	v56 =	vor.u32 v12, v36;
	v42 =	vld.idx.msk [tilespmem:v62+s2+$0x0], $0xffff;
	v37 =	vadd.f32 v37, v43  }
0x46: {  	v57 =	vor.u32 v13, v36;
	v46 =	vld.idx.msk [tilespmem:v63+s2+$0x0], $0xffff  }
0x47: {  	v58 =	vor.u32 v17, v36;
	v40 =	vld.idx.msk [tilespmem:v52+s2+$0x0], $0xffff;
	v37 =	vmul.f32 $1.250000000e-01, v37  }
0x48: {  	v59 =	vor.u32 v16, v36;
	v48 =	vld.idx.msk [tilespmem:v53+s2+$0x0], $0xffff  }
0x49: {  	v60 =	vor.u32 v61, v36;
	v41 =	vld.idx.msk [tilespmem:v54+s2+$0x0], $0xffff;
	[tilespmem:v55+s7+$0x0] =	vst.idx.msk $0xffff, v37  }
0x4a: {  	v62 =	vor.u32 v18, v36;
	v43 =	vld.idx.msk [tilespmem:v56+s2+$0x0], $0xffff  }
0x4b: {  	v63 =	vor.u32 v19, v36;
	v49 =	vld.idx.msk [tilespmem:v57+s2+$0x0], $0xffff  }
0x4c: {  	v53 =	vor.u32 v20, v36;
	v50 =	vld.idx.msk [tilespmem:v58+s2+$0x0], $0xffff  }
0x4d: {  	v51 =	vld.idx.msk [tilespmem:v59+s2+$0x0], $0xffff  }
0x4e: {  	v37 =	vld.idx.msk [tilespmem:v60+s2+$0x0], $0xffff  }
0x4f: {  	v45 =	vld.idx.msk [tilespmem:v62+s2+$0x0], $0xffff  }
0x50: {  	v52 =	vld.idx.msk [tilespmem:v63+s2+$0x0], $0xffff  }
0x51: {  	v39 =	vadd.f32 v47, v39;
	v38 =	vadd.f32 v42, v38;
	v47 =	vld.idx.msk [tilespmem:v53+s2+$0x0], $0xffff  }
0x52: {  	v40 =	vadd.f32 v40, v46;
	v41 =	vadd.f32 v41, v48  }
0x53: {  	v38 =	vadd.f32 v38, v39  }
0x54: {  	v48 =	vadd.f32 v41, v40;
	v49 =	vadd.f32 v49, v43  }
0x55: {  	v54 =	vor.u32 s12, v30;
	v53 =	vadd.f32 v51, v50;
	v37 =	vadd.f32 v45, v37  }
0x56: {  	v55 =	vor.u32 v31, v44;
	v38 =	vadd.f32 v48, v38;
	v42 =	vadd.f32 v47, v52  }
0x57: {  	v56 =	vor.u32 v32, v44;
	v57 =	vor.u32 v33, v44;
	v46 =	vor.u32 v34, v44  }
0x58: {  	s14 =	sadd.s32 $0x2, s12;
	v40 =	vadd.f32 v53, v49;
	v38 =	vmul.f32 $1.250000000e-01, v38;
	v37 =	vadd.f32 v42, v37  }
0x59: {  	v58 =	vor.u32 s13, v21;
	v59 =	vmov s14;
	v60 =	vor.u32 v22, v36  }
0x5a: {  	v62 =	vshll.u32 v59, $0x7;
	v42 =	vshll.u32 v59, $0x9;
	[tilespmem:v54+s7+$0x0] =	vst.idx.msk $0xffff, v38;
	v40 =	vadd.f32 v37, v40  }
0x5b: {  	v63 =	vor.u32 v23, v36;
	v43 =	vand.u32 $0x300, v62;
	v54 =	vand.u32 $0xF000, v42;
	v37 =	vld.idx.msk [tilespmem:v55+s2+$0x0], $0xffff  }
0x5c: {  	v38 =	vld.idx.msk [tilespmem:v56+s2+$0x0], $0xffff;
	v56 =	vor.u32 v24, v36;
	v45 =	vor.u32 v43, v54;
	v55 =	vmul.f32 $1.250000000e-01, v40  }
0x5d: {  	v39 =	vld.idx.msk [tilespmem:v57+s2+$0x0], $0xffff;
	v57 =	vor.u32 v0, v45  }
0x5e: {  	v59 =	vor.u32 v2, v45;
	v40 =	vld.idx.msk [tilespmem:v46+s2+$0x0], $0xffff;
	[tilespmem:v58+s7+$0x0] =	vst.idx.msk $0xffff, v55  }
0x5f: {  	v62 =	vor.u32 v3, v45;
	v47 =	vld.idx.msk [tilespmem:v60+s2+$0x0], $0xffff  }
0x60: {  	v54 =	vor.u32 v5, v45;
	v49 =	vld.idx.msk [tilespmem:v63+s2+$0x0], $0xffff  }
0x61: {  	v58 =	vor.u32 v1, v45;
	v51 =	vld.idx.msk [tilespmem:v56+s2+$0x0], $0xffff  }
0x62: {  	s15 =	sadd.s32 $0x3, s12;
	v55 =	vor.u32 v6, v45;
	v53 =	vld.idx.msk [tilespmem:v57+s2+$0x0], $0xffff  }
0x63: {  	v63 =	vor.u32 v4, v45;
	v60 =	vmov s15;
	v48 =	vld.idx.msk [tilespmem:v59+s2+$0x0], $0xffff  }
0x64: {  	v56 =	vor.u32 v7, v45;
	v57 =	vshll.u32 v60, $0x9;
	v41 =	vshll.u32 v60, $0x7;
	v50 =	vld.idx.msk [tilespmem:v62+s2+$0x0], $0xffff  }
0x65: {  	v54 =	vld.idx.msk [tilespmem:v54+s2+$0x0], $0xffff;
	v57 =	vand.u32 $0xF000, v57;
	v41 =	vand.u32 $0x380, v41  }
0x66: {  	v59 =	vor.u32 v15, v36;
	v41 =	vor.u32 v41, v57;
	v46 =	vld.idx.msk [tilespmem:v58+s2+$0x0], $0xffff  }
0x67: {  	v57 =	vor.u32 v0, v41;
	v55 =	vld.idx.msk [tilespmem:v55+s2+$0x0], $0xffff  }
0x68: {  	v26 =	vmov v25;
	v58 =	vor.u32 v25, v36;
	v60 =	vor.u32 v1, v41;
	v52 =	vld.idx.msk [tilespmem:v63+s2+$0x0], $0xffff  }
0x69: {  	v25 =	vmovc v24;
	v24 =	vmovc v23;
	v23 =	vmov v22;
	v22 =	vmov v21;
	v1 =	vor.u32 v5, v41;
	v56 =	vld.idx.msk [tilespmem:v56+s2+$0x0], $0xffff  }
0x6a: {  	v21 =	vmovc v20;
	v20 =	vmovc v19;
	v19 =	vmov v18;
	v18 =	vmov v61;
	v61 =	vor.u32 v2, v41  }
0x6b: {  	v62 =	vor.u32 v3, v41;
	v59 =	vld.idx.msk [tilespmem:v59+s2+$0x0], $0xffff  }
0x6c: {  	v63 =	vor.u32 v4, v41;
	v57 =	vld.idx.msk [tilespmem:v57+s2+$0x0], $0xffff  }
0x6d: {  	v48 =	vadd.f32 v50, v48;
	v46 =	vadd.f32 v46, v53;
	v50 =	vld.idx.msk [tilespmem:v60+s2+$0x0], $0xffff;
	v53 =	vor.u32 v6, v41  }
0x6e: {  	v1 =	vld.idx.msk [tilespmem:v1+s2+$0x0], $0xffff;
	v52 =	vadd.f32 v54, v52;
	v54 =	vadd.f32 v56, v55;
	v56 =	vor.u32 v7, v41  }
0x6f: {  	v55 =	vld.idx.msk [tilespmem:v61+s2+$0x0], $0xffff  }
0x70: {  	v60 =	vor.u32 v27, v36;
	v61 =	vld.idx.msk [tilespmem:v62+s2+$0x0], $0xffff  }
0x71: {  	v62 =	vor.u32 v28, v36;
	v46 =	vadd.f32 v48, v46;
	v48 =	vadd.f32 v54, v52;
	v52 =	vld.idx.msk [tilespmem:v63+s2+$0x0], $0xffff  }
0x72: {  	v54 =	vor.u32 v29, v36;
	v63 =	vor.u32 s14, v11;
	v53 =	vld.idx.msk [tilespmem:v53+s2+$0x0], $0xffff  }
0x73: {  	v46 =	vadd.f32 v48, v46;
	v48 =	vor.u32 v12, v45;
	v56 =	vld.idx.msk [tilespmem:v56+s2+$0x0], $0xffff  }
0x74: {  	v2 =	vor.u32 v13, v45;
	v58 =	vld.idx.msk [tilespmem:v58+s2+$0x0], $0xffff  }
0x75: {  	v3 =	vor.u32 v17, v45;
	v60 =	vld.idx.msk [tilespmem:v60+s2+$0x0], $0xffff;
	v46 =	vmul.f32 $1.250000000e-01, v46  }
0x76: {  	v4 =	vor.u32 v16, v45;
	v50 =	vadd.f32 v50, v57;
	v62 =	vld.idx.msk [tilespmem:v62+s2+$0x0], $0xffff  }
0x77: {  	v57 =	vor.u32 v20, v45;
	v55 =	vadd.f32 v61, v55;
	v54 =	vld.idx.msk [tilespmem:v54+s2+$0x0], $0xffff;
	[tilespmem:v63+s7+$0x0] =	vst.idx.msk $0xffff, v46  }
0x78: {  	v1 =	vadd.f32 v1, v52;
	v46 =	vor.u32 v18, v45;
	v48 =	vld.idx.msk [tilespmem:v48+s2+$0x0], $0xffff;
	v61 =	vadd.f32 v56, v53  }
0x79: {  	v63 =	vor.u32 v19, v45;
	v2 =	vld.idx.msk [tilespmem:v2+s2+$0x0], $0xffff  }
0x7a: {  	v50 =	vadd.f32 v55, v50;
	v3 =	vld.idx.msk [tilespmem:v3+s2+$0x0], $0xffff;
	v53 =	vor.u32 v21, v45;
	v1 =	vadd.f32 v61, v1  }
0x7b: {  	v49 =	vadd.f32 v49, v47;
	v4 =	vld.idx.msk [tilespmem:v4+s2+$0x0], $0xffff;
	v56 =	vor.u32 v14, v44;
	v61 =	vor.u32 s15, v11  }
0x7c: {  	v51 =	vadd.f32 v58, v51;
	v52 =	vor.u32 v10, v44;
	v57 =	vld.idx.msk [tilespmem:v57+s2+$0x0], $0xffff;
	v1 =	vadd.f32 v1, v50  }
0x7d: {  	v7 =	vmov v0;
	v0 =	vor.u32 v13, v41;
	v55 =	vld.idx.msk [tilespmem:v46+s2+$0x0], $0xffff;
	v50 =	vor.u32 v12, v41  }
0x7e: {  	v49 =	vadd.f32 v51, v49;
	v58 =	vadd.f32 v60, v59;
	v63 =	vld.idx.msk [tilespmem:v63+s2+$0x0], $0xffff;
	v1 =	vmul.f32 $1.250000000e-01, v1  }
0x7f: {  	v12 =	vmovc v6;
	v6 =	vmovc v13;
	v13 =	vmov v11;
	v11 =	vmov v5;
	v5 =	vor.u32 v17, v41;
	v53 =	vld.idx.msk [tilespmem:v53+s2+$0x0], $0xffff  }
0x80: {  	v46 =	vld.idx.msk [tilespmem:v56+s2+$0x0], $0xffff;
	v56 =	vor.u32 v16, v41;
	[tilespmem:v61+s7+$0x0] =	vst.idx.msk $0xffff, v1;
	v61 =	vmov v18  }
0x81: {  	v47 =	vld.idx.msk [tilespmem:v52+s2+$0x0], $0xffff;
	v54 =	vadd.f32 v54, v62;
	v18 =	vmov v19;
	v1 =	vor.u32 v61, v41  }
0x82: {  	v2 =	vadd.f32 v2, v48;
	v19 =	vmov v20;
	v50 =	vld.idx.msk [tilespmem:v50+s2+$0x0], $0xffff;
	v59 =	vor.u32 v18, v41  }
0x83: {  	v3 =	vadd.f32 v4, v3;
	v20 =	vmov v21;
	v0 =	vld.idx.msk [tilespmem:v0+s2+$0x0], $0xffff;
	v4 =	vor.u32 v19, v41  }
0x84: {  	v63 =	vadd.f32 v63, v55;
	v5 =	vld.idx.msk [tilespmem:v5+s2+$0x0], $0xffff;
	v55 =	vor.u32 v20, v41;
	v53 =	vadd.f32 v53, v57  }
0x85: {  	v52 =	vor.u32 v35, v44;
	v44 =	vor.u32 v8, v44;
	v60 =	vadd.f32 v54, v58;
	v54 =	vld.idx.msk [tilespmem:v56+s2+$0x0], $0xffff  }
0x86: {  	v2 =	vadd.f32 v3, v2;
	v21 =	vmovc v22;
	v56 =	vor.u32 s13, v30;
	v3 =	vadd.f32 v53, v63;
	v1 =	vld.idx.msk [tilespmem:v1+s2+$0x0], $0xffff  }
0x87: {  	v62 =	vadd.f32 v60, v49;
	v49 =	vor.u32 v31, v36;
	v22 =	vmovc v23;
	v63 =	vor.u32 s14, v21;
	v53 =	vld.idx.msk [tilespmem:v59+s2+$0x0], $0xffff  }
0x88: {  	v23 =	vmov v24;
	v2 =	vadd.f32 v3, v2;
	v3 =	vor.u32 v22, v45;
	v4 =	vld.idx.msk [tilespmem:v4+s2+$0x0], $0xffff  }
0x89: {  	v24 =	vmov v25;
	v48 =	vmul.f32 $1.250000000e-01, v62;
	v57 =	vor.u32 v23, v45;
	v55 =	vld.idx.msk [tilespmem:v55+s2+$0x0], $0xffff  }
0x8a: {  	v52 =	vld.idx.msk [tilespmem:v52+s2+$0x0], $0xffff;
	v60 =	vor.u32 v24, v45;
	v2 =	vmul.f32 $1.250000000e-01, v2  }
0x8b: {  	v44 =	vld.idx.msk [tilespmem:v44+s2+$0x0], $0xffff;
	v62 =	vor.u32 v26, v45;
	[tilespmem:v56+s7+$0x0] =	vst.idx.msk $0xffff, v48  }
0x8c: {  	v59 =	vor.u32 v28, v45;
	v49 =	vld.idx.msk [tilespmem:v49+s2+$0x0], $0xffff;
	[tilespmem:v63+s7+$0x0] =	vst.idx.msk $0xffff, v2  }
0x8d: {  	v0 =	vadd.f32 v0, v50;
	v5 =	vadd.f32 v54, v5;
	v2 =	vor.u32 v15, v45;
	v3 =	vld.idx.msk [tilespmem:v3+s2+$0x0], $0xffff  }
0x8e: {  	v63 =	vor.u32 v27, v45;
	v50 =	vld.idx.msk [tilespmem:v57+s2+$0x0], $0xffff;
	v1 =	vadd.f32 v53, v1;
	v4 =	vadd.f32 v55, v4  }
0x8f: {  	v45 =	vor.u32 v29, v45;
	v53 =	vld.idx.msk [tilespmem:v60+s2+$0x0], $0xffff  }
0x90: {  	v0 =	vadd.f32 v5, v0;
	v60 =	vor.u32 v32, v36;
	v48 =	vld.idx.msk [tilespmem:v62+s2+$0x0], $0xffff;
	v1 =	vadd.f32 v4, v1  }
0x91: {  	v5 =	vor.u32 s15, v21;
	v54 =	vld.idx.msk [tilespmem:v59+s2+$0x0], $0xffff;
	v4 =	vor.u32 v33, v36  }
0x92: {  	v2 =	vld.idx.msk [tilespmem:v2+s2+$0x0], $0xffff;
	v0 =	vadd.f32 v1, v0;
	v1 =	vor.u32 v22, v41  }
0x93: {  	v62 =	vor.u32 v23, v41;
	v51 =	vld.idx.msk [tilespmem:v63+s2+$0x0], $0xffff  }
0x94: {  	v45 =	vld.idx.msk [tilespmem:v45+s2+$0x0], $0xffff;
	v63 =	vor.u32 v24, v41;
	v0 =	vmul.f32 $1.250000000e-01, v0  }
0x95: {  	v55 =	vld.idx.msk [tilespmem:v60+s2+$0x0], $0xffff;
	v60 =	vor.u32 v26, v41  }
0x96: {  	v4 =	vld.idx.msk [tilespmem:v4+s2+$0x0], $0xffff;
	[tilespmem:v5+s7+$0x0] =	vst.idx.msk $0xffff, v0;
	v0 =	vor.u32 v15, v41  }
0x97: {  	v5 =	vor.u32 v27, v41;
	v1 =	vld.idx.msk [tilespmem:v1+s2+$0x0], $0xffff  }
0x98: {  	v3 =	vadd.f32 v50, v3;
	v48 =	vadd.f32 v48, v53;
	v53 =	vor.u32 v28, v41;
	v50 =	vld.idx.msk [tilespmem:v62+s2+$0x0], $0xffff  }
0x99: {  	v2 =	vadd.f32 v51, v2;
	v45 =	vadd.f32 v45, v54;
	v51 =	vld.idx.msk [tilespmem:v63+s2+$0x0], $0xffff;
	v54 =	vor.u32 v29, v41  }
0x9a: {  	v62 =	vor.u32 v34, v36;
	v57 =	vld.idx.msk [tilespmem:v60+s2+$0x0], $0xffff  }
0x9b: {  	v3 =	vadd.f32 v48, v3;
	v63 =	vor.u32 v14, v36;
	v2 =	vadd.f32 v45, v2;
	v0 =	vld.idx.msk [tilespmem:v0+s2+$0x0], $0xffff  }
0x9c: {  	v48 =	vor.u32 s14, v30;
	v45 =	vor.u32 v10, v36;
	v5 =	vld.idx.msk [tilespmem:v5+s2+$0x0], $0xffff  }
0x9d: {  	v60 =	vor.u32 v35, v36;
	v36 =	vor.u32 v8, v36;
	v2 =	vadd.f32 v2, v3;
	v3 =	vld.idx.msk [tilespmem:v53+s2+$0x0], $0xffff  }
0x9e: {  	v42 =	vor.u32 v43, v42;
	v43 =	vld.idx.msk [tilespmem:v54+s2+$0x0], $0xffff  }
0x9f: {  	v53 =	vld.idx.msk [tilespmem:v62+s2+$0x0], $0xffff;
	v62 =	vor.u32 v31, v42  }
0xa0: {  	v56 =	vld.idx.msk [tilespmem:v63+s2+$0x0], $0xffff;
	v63 =	vor.u32 v32, v42;
	v2 =	vmul.f32 $1.250000000e-01, v2  }
0xa1: {  	v59 =	vor.u32 v34, v42;
	v1 =	vadd.f32 v50, v1;
	v45 =	vld.idx.msk [tilespmem:v45+s2+$0x0], $0xffff  }
0xa2: {  	v50 =	vadd.f32 v57, v51;
	v36 =	vld.idx.msk [tilespmem:v36+s2+$0x0], $0xffff;
	[tilespmem:v48+s7+$0x0] =	vst.idx.msk $0xffff, v2;
	v2 =	vor.u32 v33, v42  }
0xa3: {  	v48 =	vld.idx.msk [tilespmem:v60+s2+$0x0], $0xffff;
	v60 =	vor.u32 v14, v42;
	v0 =	vadd.f32 v5, v0;
	v3 =	vadd.f32 v43, v3  }
0xa4: {  	v5 =	vld.idx.msk [tilespmem:v62+s2+$0x0], $0xffff;
	v62 =	vor.u32 v10, v42  }
0xa5: {  	v1 =	vadd.f32 v50, v1;
	v54 =	vld.idx.msk [tilespmem:v63+s2+$0x0], $0xffff;
	v63 =	vor.u32 v35, v42;
	v0 =	vadd.f32 v3, v0  }
0xa6: {  	v50 =	vld.idx.msk [tilespmem:v59+s2+$0x0], $0xffff;
	v3 =	vor.u32 v8, v42;
	v42 =	vor.u32 s15, v30  }
0xa7: {  	v2 =	vld.idx.msk [tilespmem:v2+s2+$0x0], $0xffff;
	v0 =	vadd.f32 v0, v1;
	v1 =	vor.u32 v31, v41  }
0xa8: {  	v58 =	vor.u32 v32, v41;
	v51 =	vld.idx.msk [tilespmem:v60+s2+$0x0], $0xffff  }
0xa9: {  	v59 =	vor.u32 v33, v41;
	v43 =	vld.idx.msk [tilespmem:v62+s2+$0x0], $0xffff;
	v0 =	vmul.f32 $1.250000000e-01, v0  }
0xaa: {  	v60 =	vor.u32 v34, v41;
	v57 =	vld.idx.msk [tilespmem:v63+s2+$0x0], $0xffff  }
0xab: {  	v3 =	vld.idx.msk [tilespmem:v3+s2+$0x0], $0xffff;
	[tilespmem:v42+s7+$0x0] =	vst.idx.msk $0xffff, v0;
	v0 =	vor.u32 v14, v41  }
0xac: {  	v42 =	vor.u32 v10, v41;
	v1 =	vld.idx.msk [tilespmem:v1+s2+$0x0], $0xffff  }
0xad: {  	v37 =	vadd.f32 v38, v37;
	v38 =	vadd.f32 v40, v39;
	v39 =	vld.idx.msk [tilespmem:v58+s2+$0x0], $0xffff;
	v58 =	vor.u32 v35, v41  }
0xae: {  	v62 =	vld.idx.msk [tilespmem:v59+s2+$0x0], $0xffff;
	v41 =	vor.u32 v8, v41  }
0xaf: {  	v63 =	vld.idx.msk [tilespmem:v60+s2+$0x0], $0xffff  }
0xb0: {  	v49 =	vadd.f32 v55, v49;
	v4 =	vadd.f32 v53, v4;
	v0 =	vld.idx.msk [tilespmem:v0+s2+$0x0], $0xffff  }
0xb1: {  	v45 =	vadd.f32 v45, v56;
	v36 =	vadd.f32 v36, v48;
	v42 =	vld.idx.msk [tilespmem:v42+s2+$0x0], $0xffff  }
0xb2: {  	v46 =	vadd.f32 v47, v46;
	v40 =	vld.idx.msk [tilespmem:v58+s2+$0x0], $0xffff  }
0xb3: {  	v4 =	vadd.f32 v4, v49;
	v36 =	vadd.f32 v36, v45;
	v41 =	vld.idx.msk [tilespmem:v41+s2+$0x0], $0xffff  }
0xb4: {  	v44 =	vadd.f32 v44, v52;
	v5 =	vadd.f32 v54, v5  }
0xb5: {  	v4 =	vadd.f32 v36, v4;
	v2 =	vadd.f32 v50, v2  }
0xb6: {  	v3 =	vadd.f32 v3, v57;
	v58 =	vadd.f32 v43, v51  }
0xb7: {  	v1 =	vadd.f32 v39, v1;
	v59 =	vadd.f32 v63, v62  }
0xb8: {  	v62 =	vor.u32 s13, v9;
	v0 =	vadd.f32 v42, v0;
	v40 =	vadd.f32 v41, v40  }
0xb9: {  	v2 =	vadd.f32 v2, v5;
	v3 =	vadd.f32 v3, v58  }
0xba: {  	v5 =	vor.u32 s14, v9;
	v1 =	vadd.f32 v59, v1;
	v0 =	vadd.f32 v40, v0  }
0xbb: {  	v37 =	vadd.f32 v38, v37;
	v4 =	vmul.f32 $1.250000000e-01, v4;
	v2 =	vadd.f32 v3, v2  }
0xbc: {  	v56 =	vadd.f32 v44, v46;
	v3 =	vor.u32 s15, v9;
	v0 =	vadd.f32 v0, v1  }
0xbd: {  	p0 =	slt.u32 s12, $0x7C;
	v60 =	vor.u32 s12, v9;
	[tilespmem:v62+s7+$0x0] =	vst.idx.msk $0xffff, v4;
	v4 =	vld [tilespmem:$0x1FFD0];
	v1 =	vmul.f32 $1.250000000e-01, v2  }
.Ltmp0:
0xbe: {  	v37 =	vadd.f32 v56, v37;
	v2 =	vld [tilespmem:$0x1FFC0];
	v0 =	vmul.f32 $1.250000000e-01, v0;
	(pc) =	sbr.rel @p0 .LBB2_2-.Ltmp0, $4  }
0xbf: {  	[tilespmem:v5+s7+$0x0] =	vst.idx.msk $0xffff, v1;
	v1 =	vld [tilespmem:$0x1FFA0]  }
0xc0: {  	v63 =	vmul.f32 $1.250000000e-01, v37;
	v5 =	vmovc v11;
	v11 =	vmovc v13;
	v13 =	vmov v6;
	v6 =	vmov v12;
	v12 =	vld [tilespmem:$0x1FFE0]  }
0xc1: {  	[tilespmem:v3+s7+$0x0] =	vst.idx.msk $0xffff, v0;
	v3 =	vld [tilespmem:$0x1FFB0]  }
0xc2: {  	v25 =	vmov v26;
	s12 =	sadd.s32 $0x4, s12;
	[tilespmem:v60+s7+$0x0] =	vst.idx.msk $0xffff, v63;
	v0 =	vmov v7;
	v7 =	vld [tilespmem:$0x1FFF0]  }
0xc3: {  	s11 =	sadd.s32 $0x1, s11  }
0xc4: {  	p0 =	sne.s32 s11, s5  }
.Ltmp1:
0xc5: {  	_ = 	snop;
	(pc) =	sbr.rel @p0 .LBB2_1-.Ltmp1, $4  }
0xc6: {  	[hbm4b:s4+s8] =	stream.strided.scatter [tilespmem:s7], [sflag:$0x2], $0x2000, s9, s8, $0x38;
	[tilespmem:$0x12000] =	vst v63  }
0xc7: {  	_ =	swait.ge [sflag:s10], $0x2000  }
0xc8: {  	[sflag:s10] =	ssyncset.done $0x0  }
0xc9: {  	[sflag:s10] =	ssyncadd.s32 $0xFFFFE000  }
0xca: {  	_ =	sfence.sel $0x180000  }
0xcb: {  	[bflag:$0x0] =	sbarrier.arrive $0xFFFF  }
0xcc: {  	p0 =	sne.s32 s1, $0x0;
	_ =	strace $0x90000047  }
0xcd: {  	s0 =	sadd.s32 @!p0 $0x100000, s0;
	[bflag:$0x2] =	sbarrier.arrive $0xFFFF  }
0xce: {  	[sflag:s0] =	ssyncadd.tile.s32 @!p0 $0x1;
	_ =	shalt  }
.Lfunc_end2:
_tile_overlayer_lowered:
.L_overlay_start_2:
0xcf: {  	(tag) =	ssettag $0x2  }
0xd0: {  	s0 =	rddreg [dreg:$0x0];
	s2 =	stileid.u32  }
0xd1: {  	s1 =	rddreg [dreg:$0x1];
	p0 =	sne.s32 s2, $0x0  }
0xd2: {  	s3 =	rddreg [dreg:$0x2];
	[bflag:$0x3] =	sbarrier.arrive $0xFFFF;
	s2 =	simm.s32 @!p0 $0x1C03  }
0xd3: {  	[timem:s3], [sflag:s2] =	dma.local @!p0 [hbm:s0], s1  }
0xd4: {  	s0 =	simm.s32 @!p0 $0x3  }
0xd5: {  	_ =	swait.ge @!p0 [sflag:s0], s1  }
0xd6: {  	s1 =	ssub.s32 @!p0 $0x0, s1;
	[sflag:s0] =	ssyncset.done @!p0 $0x0  }
0xd7: {  	[sflag:s0] =	ssyncadd.s32 @!p0 s1  }
0xd8: {  	[bflag:$0x3] =	sbarrier.arrive $0xFFFF  }
0xd9: {  	_ =	shalt  }

</sc_bundles>
